<compile_context>
chip_gen: v7x
topology: tpu7x:2x2x1
jax: 0.10.2.dev20260603
libtpu: 0.0.44.dev20260713+nightly
codegen_flags: <defaults>
</compile_context>

<pallas_src>
import functools

import jax
import jax.numpy as jnp
from jax import lax
from jax.experimental import pallas as pl
from jax.experimental.pallas import tpu as pltpu
from jax.experimental.pallas import tpu_sc as plsc

N_NODES = 10000
N_EDGES = 320000
D = 128

CHUNK = 128
NCHUNKS = N_EDGES // CHUNK
NC, NS = 2, 16
NW = NC * NS
FULL_PER_TILE = 80
W15_CNT = 48
LAST_CNT = 52
TAIL_ROWS = 56
ACC_ROWS = 10112
ROWS_PER_TILE = ACC_ROWS // NS
NBUF = 2


def _sc_body(msgs_hbm, idx_hbm, tail_hbm, out_hbm,
             idx_v, msg_v, acc_s, ld_sem, sc_sem):
    c = lax.axis_index("c")
    s = lax.axis_index("s")
    w = c * NS + s

    cnt = jnp.where(w == NS - 1, W15_CNT,
                    jnp.where(w == NW - 1, LAST_CNT, FULL_PER_TILE))
    start = jnp.where(w < NS, w * FULL_PER_TILE,
                      w * FULL_PER_TILE - (FULL_PER_TILE - W15_CNT))

    @pl.when(jnp.logical_and(w != NS - 1, w != NW - 1))
    def _load_idx_full():
        pltpu.async_copy(idx_hbm.at[pl.ds(start, FULL_PER_TILE)], idx_v,
                         sc_sem.at[0])

    @pl.when(w == NS - 1)
    def _load_idx_w15():
        pltpu.async_copy(idx_hbm.at[pl.ds(start, W15_CNT)],
                         idx_v.at[pl.ds(0, W15_CNT)], sc_sem.at[0])

    @pl.when(w == NW - 1)
    def _load_idx_last():
        pltpu.async_copy(tail_hbm, idx_v.at[pl.ds(0, TAIL_ROWS)],
                         sc_sem.at[0])

    zero16 = jnp.zeros((16,), jnp.float32)

    def zrow(i, carry):
        for j in range(D // 16):
            msg_v[0, i, pl.ds(16 * j, 16)] = zero16
        return carry

    lax.fori_loop(0, CHUNK, zrow, 0)

    row0 = s * ROWS_PER_TILE
    nfull = ROWS_PER_TILE // CHUNK
    rem = ROWS_PER_TILE - nfull * CHUNK
    for b in range(nfull):
        pltpu.async_copy(msg_v.at[0], acc_s.at[pl.ds(row0 + b * CHUNK, CHUNK)],
                         sc_sem.at[1])
    pltpu.async_copy(msg_v.at[0].at[pl.ds(0, rem)],
                     acc_s.at[pl.ds(row0 + nfull * CHUNK, rem)],
                     sc_sem.at[1])
    pltpu.async_copy(msgs_hbm.at[start + 1], msg_v.at[1], ld_sem.at[1])

    for b in range(nfull):
        pltpu.make_async_copy(msg_v.at[0],
                              acc_s.at[pl.ds(row0 + b * CHUNK, CHUNK)],
                              sc_sem.at[1]).wait()
    pltpu.make_async_copy(msg_v.at[0].at[pl.ds(0, rem)],
                          acc_s.at[pl.ds(row0 + nfull * CHUNK, rem)],
                          sc_sem.at[1]).wait()
    pltpu.async_copy(msgs_hbm.at[start], msg_v.at[0], ld_sem.at[0])

    @pl.when(jnp.logical_and(w != NS - 1, w != NW - 1))
    def _wait_idx_full():
        pltpu.make_async_copy(idx_hbm.at[pl.ds(start, FULL_PER_TILE)], idx_v,
                              sc_sem.at[0]).wait()

    @pl.when(w == NS - 1)
    def _wait_idx_w15():
        pltpu.make_async_copy(idx_hbm.at[pl.ds(start, W15_CNT)],
                              idx_v.at[pl.ds(0, W15_CNT)], sc_sem.at[0]).wait()

    @pl.when(w == NW - 1)
    def _wait_idx_last():
        pltpu.make_async_copy(tail_hbm, idx_v.at[pl.ds(0, TAIL_ROWS)],
                              sc_sem.at[0]).wait()

    plsc.subcore_barrier()

    rounds = cnt // NBUF

    def round_body(g, carry):
        for b in range(NBUF):
            i = g * NBUF + b
            pltpu.make_async_copy(msgs_hbm.at[start + i], msg_v.at[b],
                                  ld_sem.at[b]).wait()
            desc = pltpu.async_copy(msg_v.at[b], acc_s.at[idx_v.at[i]],
                                    sc_sem.at[b], add=True)

            @pl.when(g < rounds - 1)
            def _reload():
                desc.wait()
                pltpu.async_copy(msgs_hbm.at[start + i + NBUF], msg_v.at[b],
                                 ld_sem.at[b])
        return carry

    lax.fori_loop(0, rounds, round_body, 0)

    for b in range(NBUF):
        i = cnt - NBUF + b
        pltpu.make_async_copy(msg_v.at[b], acc_s.at[idx_v.at[i]],
                              sc_sem.at[b]).wait()
    plsc.subcore_barrier()

    pltpu.sync_copy(acc_s.at[pl.ds(row0, ROWS_PER_TILE)],
                    out_hbm.at[c, pl.ds(row0, ROWS_PER_TILE)])


_scatter_sc = functools.partial(
    pl.kernel,
    mesh=plsc.VectorSubcoreMesh(core_axis_name="c", subcore_axis_name="s"),
    out_type=jax.ShapeDtypeStruct((NC, ACC_ROWS, D), jnp.float32),
    scratch_types=[
        pltpu.VMEM((FULL_PER_TILE, CHUNK), jnp.int32),
        pltpu.VMEM((NBUF, CHUNK, D), jnp.float32),
        pltpu.VMEM_SHARED((ACC_ROWS, D), jnp.float32),
        pltpu.SemaphoreType.DMA((NBUF,)),
        pltpu.SemaphoreType.DMA((NBUF,)),
    ],
)(_sc_body)


def _combine_body(p_ref, o_ref):
    o_ref[...] = p_ref[0] + p_ref[1]


def _combine(partials):
    return pl.pallas_call(
        _combine_body,
        out_shape=jax.ShapeDtypeStruct((N_NODES, D), jnp.float32),
        grid=(5,),
        in_specs=[pl.BlockSpec((NC, N_NODES // 5, D), lambda i: (0, i, 0))],
        out_specs=pl.BlockSpec((N_NODES // 5, D), lambda i: (i, 0)),
    )(partials)


@jax.jit
def kernel(messages, edge_index):
    dst = edge_index[1].astype(jnp.int32).reshape(NCHUNKS, CHUNK)
    tail = jnp.pad(dst[NCHUNKS - LAST_CNT:], ((0, TAIL_ROWS - LAST_CNT), (0, 0)))
    msgs = messages.reshape(NCHUNKS, CHUNK, D)
    partials = _scatter_sc(msgs, dst, tail)
    return _combine(partials)

# --- scband reference (transcript-rebuilt; emitter-appended) ---
"""Pipeline reference for scband-simple-scatter-model-1082331758789 (READ-ONLY COPY).

The authoritative reference and input builder live on the scoring server;
editing this copy changes nothing except your own understanding.
"""

import jax, jax.numpy as jnp
import numpy as np

NUM_NODES = 10000
N_EDGES = 320000
D_FEAT = 128


def setup_inputs(seed: int = 0) -> dict:
    key = jax.random.key(seed)
    k1, k2 = jax.random.split(key)
    messages = jax.random.normal(k1, (N_EDGES, D_FEAT), dtype=jnp.float32)
    edge_index = jax.random.randint(k2, (2, N_EDGES), 0, NUM_NODES, dtype=jnp.int64)
    return {"messages": messages, "edge_index": edge_index}


def reference(messages, edge_index):
    # out = zeros(num_nodes, d); out.index_add_(0, edge_index[1], messages)
    target_nodes = edge_index[1]
    out = jnp.zeros((NUM_NODES, messages.shape[1]), dtype=messages.dtype)
    out = out.at[target_nodes].add(messages)
    return out

if __name__ == "__main__":
    import jax
    _d = setup_inputs()
    print(jax.jit(kernel)(*tuple(_d.values())))

</pallas_src>

<mosaic_0001>
#map = affine_map<(d0, d1) -> (0, 0, 0)>
#map1 = affine_map<(d0, d1) -> (0, 0)>
module attributes {stable_mosaic.version = 14 : i64} {
  func.func @_sc_body(%arg0: i32, %arg1: i32, %arg2: memref<2500x128x128xf32, #tpu.memory_space<hbm>>, %arg3: memref<2500x128xi32, #tpu.memory_space<hbm>>, %arg4: memref<56x128xi32, #tpu.memory_space<hbm>>, %arg5: memref<2x10112x128xf32, #tpu.memory_space<hbm>>, %arg6: memref<80x128xi32, #tpu.memory_space<vmem>>, %arg7: memref<2x128x128xf32, #tpu.memory_space<vmem>>, %arg8: memref<10112x128xf32, #tpu.memory_space<vmem_shared>>, %arg9: memref<2x!tpu.dma_semaphore, #tpu.memory_space<semaphore_mem>>, %arg10: memref<2x!tpu.dma_semaphore, #tpu.memory_space<semaphore_mem>>) attributes {dimension_semantics = [#tpu.dimension_semantics<core_parallel>, #tpu.dimension_semantics<subcore_parallel>], iteration_bounds = array<i64: 2, 16>, scalar_prefetch = 0 : i64, scratch_operands = 5 : i64, tpu.core_type = #tpu.core_type<sc_vector_subcore>, window_params = [{transform_indices = #map}, {transform_indices = #map1}, {transform_indices = #map1}, {transform_indices = #map}]} {
    %mul3A = arith.constant 16 : i32
    %mul3A_0 = arith.muli %arg0, %mul3A : i32
    %add3A = arith.addi %mul3A_0, %arg1 : i32
    %eq3A = arith.constant 15 : i32
    %eq3A_1 = arith.cmpi eq, %add3A, %eq3A : i32
    %eq3A_2 = arith.constant 31 : i32
    %eq3A_3 = arith.cmpi eq, %add3A, %eq3A_2 : i32
    %jit3A = arith.constant 52 : i32
    %jit3A_4 = arith.constant 80 : i32
    %select_n3A = arith.select %eq3A_3, %jit3A, %jit3A_4 : i32
    %jit3A_5 = arith.constant 48 : i32
    %select_n3A_6 = arith.select %eq3A_1, %jit3A_5, %select_n3A : i32
    %lt3A = arith.constant 16 : i32
    %lt3A_7 = arith.cmpi slt, %add3A, %lt3A : i32
    %mul3A_8 = arith.constant 80 : i32
    %mul3A_9 = arith.muli %add3A, %mul3A_8 : i32
    %mul3A_10 = arith.constant 80 : i32
    %mul3A_11 = arith.muli %add3A, %mul3A_10 : i32
    %sub3A = arith.constant 32 : i32
    %sub3A_12 = arith.subi %mul3A_11, %sub3A : i32
    %select_n3A_13 = arith.select %lt3A_7, %mul3A_9, %sub3A_12 : i32
    %ne3A = arith.constant 15 : i32
    %ne3A_14 = arith.cmpi ne, %add3A, %ne3A : i32
    %ne3A_15 = arith.constant 31 : i32
    %ne3A_16 = arith.cmpi ne, %add3A, %ne3A_15 : i32
    %and3A = arith.andi %ne3A_14, %ne3A_16 : i1
    %convert_element_type3A = arith.extui %and3A : i1 to i32
    %cond3A = arith.constant 0 : i32
    %cond3A_17 = arith.cmpi ne, %convert_element_type3A, %cond3A : i32
    scf.if %cond3A_17 {
      %dma_start3A_353 = arith.constant 0 : i32
      %dma_start3A_354 = arith.constant 0 : i32
      %dma_start3A_355 = tpu.memref_slice %arg3[%select_n3A_13, %dma_start3A_354] : memref<2500x128xi32, #tpu.memory_space<hbm>> -> memref<80x128xi32, #tpu.memory_space<hbm>>
      %dma_start3A_356 = tpu.memref_slice %arg10[%dma_start3A_353] : memref<2x!tpu.dma_semaphore, #tpu.memory_space<semaphore_mem>> -> memref<1x!tpu.dma_semaphore, #tpu.memory_space<semaphore_mem>>
      %dma_start3A_357 = tpu.memref_squeeze %dma_start3A_356 : memref<1x!tpu.dma_semaphore, #tpu.memory_space<semaphore_mem>> -> memref<!tpu.dma_semaphore, #tpu.memory_space<semaphore_mem>>
      %dma_start3A_358 = arith.constant 0 : i32
      %dma_start3A_359 = tpu.memref_slice %arg3[%select_n3A_13, %dma_start3A_358] : memref<2500x128xi32, #tpu.memory_space<hbm>> -> memref<80x128xi32, #tpu.memory_space<hbm>>
      tpu.enqueue_dma source(%dma_start3A_359 : memref<80x128xi32, #tpu.memory_space<hbm>>) target(%arg6 : memref<80x128xi32, #tpu.memory_space<vmem>>) target_semaphore(%dma_start3A_357 : memref<!tpu.dma_semaphore, #tpu.memory_space<semaphore_mem>>)
    } else {
    }
    %eq3A_18 = arith.constant 15 : i32
    %eq3A_19 = arith.cmpi eq, %add3A, %eq3A_18 : i32
    %convert_element_type3A_20 = arith.extui %eq3A_19 : i1 to i32
    %cond3A_21 = arith.constant 0 : i32
    %cond3A_22 = arith.cmpi ne, %convert_element_type3A_20, %cond3A_21 : i32
    scf.if %cond3A_22 {
      %dma_start3A_353 = arith.constant 0 : i32
      %dma_start3A_354 = arith.constant 0 : i32
      %dma_start3A_355 = arith.constant 0 : i32
      %dma_start3A_356 = tpu.memref_slice %arg6[%dma_start3A_354, %dma_start3A_355] : memref<80x128xi32, #tpu.memory_space<vmem>> -> memref<48x128xi32, #tpu.memory_space<vmem>>
      %dma_start3A_357 = arith.constant 0 : i32
      %dma_start3A_358 = tpu.memref_slice %arg3[%select_n3A_13, %dma_start3A_357] : memref<2500x128xi32, #tpu.memory_space<hbm>> -> memref<48x128xi32, #tpu.memory_space<hbm>>
      %dma_start3A_359 = tpu.memref_slice %arg10[%dma_start3A_353] : memref<2x!tpu.dma_semaphore, #tpu.memory_space<semaphore_mem>> -> memref<1x!tpu.dma_semaphore, #tpu.memory_space<semaphore_mem>>
      %dma_start3A_360 = tpu.memref_squeeze %dma_start3A_359 : memref<1x!tpu.dma_semaphore, #tpu.memory_space<semaphore_mem>> -> memref<!tpu.dma_semaphore, #tpu.memory_space<semaphore_mem>>
      %dma_start3A_361 = arith.constant 0 : i32
      %dma_start3A_362 = arith.constant 0 : i32
      %dma_start3A_363 = tpu.memref_slice %arg6[%dma_start3A_361, %dma_start3A_362] : memref<80x128xi32, #tpu.memory_space<vmem>> -> memref<48x128xi32, #tpu.memory_space<vmem>>
      %dma_start3A_364 = arith.constant 0 : i32
      %dma_start3A_365 = tpu.memref_slice %arg3[%select_n3A_13, %dma_start3A_364] : memref<2500x128xi32, #tpu.memory_space<hbm>> -> memref<48x128xi32, #tpu.memory_space<hbm>>
      tpu.enqueue_dma source(%dma_start3A_365 : memref<48x128xi32, #tpu.memory_space<hbm>>) target(%dma_start3A_363 : memref<48x128xi32, #tpu.memory_space<vmem>>) target_semaphore(%dma_start3A_360 : memref<!tpu.dma_semaphore, #tpu.memory_space<semaphore_mem>>)
    } else {
    }
    %eq3A_23 = arith.constant 31 : i32
    %eq3A_24 = arith.cmpi eq, %add3A, %eq3A_23 : i32
    %convert_element_type3A_25 = arith.extui %eq3A_24 : i1 to i32
    %cond3A_26 = arith.constant 0 : i32
    %cond3A_27 = arith.cmpi ne, %convert_element_type3A_25, %cond3A_26 : i32
    scf.if %cond3A_27 {
      %dma_start3A_353 = arith.constant 0 : i32
      %dma_start3A_354 = arith.constant 0 : i32
      %dma_start3A_355 = arith.constant 0 : i32
      %dma_start3A_356 = tpu.memref_slice %arg6[%dma_start3A_354, %dma_start3A_355] : memref<80x128xi32, #tpu.memory_space<vmem>> -> memref<56x128xi32, #tpu.memory_space<vmem>>
      %dma_start3A_357 = tpu.memref_slice %arg10[%dma_start3A_353] : memref<2x!tpu.dma_semaphore, #tpu.memory_space<semaphore_mem>> -> memref<1x!tpu.dma_semaphore, #tpu.memory_space<semaphore_mem>>
      %dma_start3A_358 = tpu.memref_squeeze %dma_start3A_357 : memref<1x!tpu.dma_semaphore, #tpu.memory_space<semaphore_mem>> -> memref<!tpu.dma_semaphore, #tpu.memory_space<semaphore_mem>>
      %dma_start3A_359 = arith.constant 0 : i32
      %dma_start3A_360 = arith.constant 0 : i32
      %dma_start3A_361 = tpu.memref_slice %arg6[%dma_start3A_359, %dma_start3A_360] : memref<80x128xi32, #tpu.memory_space<vmem>> -> memref<56x128xi32, #tpu.memory_space<vmem>>
      tpu.enqueue_dma source(%arg4 : memref<56x128xi32, #tpu.memory_space<hbm>>) target(%dma_start3A_361 : memref<56x128xi32, #tpu.memory_space<vmem>>) target_semaphore(%dma_start3A_358 : memref<!tpu.dma_semaphore, #tpu.memory_space<semaphore_mem>>)
    } else {
    }
    %broadcast_in_dim3A = arith.constant 0.000000e+00 : f32
    %broadcast_in_dim3A_28 = vector.broadcast %broadcast_in_dim3A : f32 to vector<16xf32>
    %scan3A = arith.constant 0 : i32
    %scan3A_29 = arith.constant 0 : i32
    %scan3A_30 = arith.constant 128 : i32
    %scan3A_31 = arith.addi %scan3A_29, %scan3A_30 : i32
    %scan3A_32 = arith.constant 1 : i32
    scf.for %scan3A_353 = %scan3A_29 to %scan3A_31 step %scan3A_32  : i32 {
      %swap3A = arith.constant 0 : i32
      %swap3A_354 = arith.index_cast %swap3A : i32 to index
      %swap3A_355 = arith.index_cast %scan3A_353 : i32 to index
      %swap3A_356 = arith.constant 0 : index
      %swap3A_357 = tpu.vector_load %arg7[%swap3A_354, %swap3A_355, %swap3A_356] {strides = array<i32>} : memref<2x128x128xf32, #tpu.memory_space<vmem>>, vector<1x1x16xf32>,
      %swap3A_358 = vector.shape_cast %swap3A_357 : vector<1x1x16xf32> to vector<16xf32>
      %swap3A_359 = vector.shape_cast %broadcast_in_dim3A_28 : vector<16xf32> to vector<1x1x16xf32>
      tpu.vector_store %arg7[%swap3A_354, %swap3A_355, %swap3A_356], %swap3A_359 {strides = array<i32>} : memref<2x128x128xf32, #tpu.memory_space<vmem>>, vector<1x1x16xf32>,
      %swap3A_360 = arith.constant 0 : i32
      %swap3A_361 = arith.index_cast %swap3A_360 : i32 to index
      %swap3A_362 = arith.index_cast %scan3A_353 : i32 to index
      %swap3A_363 = arith.constant 16 : index
      %swap3A_364 = tpu.vector_load %arg7[%swap3A_361, %swap3A_362, %swap3A_363] {strides = array<i32>} : memref<2x128x128xf32, #tpu.memory_space<vmem>>, vector<1x1x16xf32>,
      %swap3A_365 = vector.shape_cast %swap3A_364 : vector<1x1x16xf32> to vector<16xf32>
      %swap3A_366 = vector.shape_cast %broadcast_in_dim3A_28 : vector<16xf32> to vector<1x1x16xf32>
      tpu.vector_store %arg7[%swap3A_361, %swap3A_362, %swap3A_363], %swap3A_366 {strides = array<i32>} : memref<2x128x128xf32, #tpu.memory_space<vmem>>, vector<1x1x16xf32>,
      %swap3A_367 = arith.constant 0 : i32
      %swap3A_368 = arith.index_cast %swap3A_367 : i32 to index
      %swap3A_369 = arith.index_cast %scan3A_353 : i32 to index
      %swap3A_370 = arith.constant 32 : index
      %swap3A_371 = tpu.vector_load %arg7[%swap3A_368, %swap3A_369, %swap3A_370] {strides = array<i32>} : memref<2x128x128xf32, #tpu.memory_space<vmem>>, vector<1x1x16xf32>,
      %swap3A_372 = vector.shape_cast %swap3A_371 : vector<1x1x16xf32> to vector<16xf32>
      %swap3A_373 = vector.shape_cast %broadcast_in_dim3A_28 : vector<16xf32> to vector<1x1x16xf32>
      tpu.vector_store %arg7[%swap3A_368, %swap3A_369, %swap3A_370], %swap3A_373 {strides = array<i32>} : memref<2x128x128xf32, #tpu.memory_space<vmem>>, vector<1x1x16xf32>,
      %swap3A_374 = arith.constant 0 : i32
      %swap3A_375 = arith.index_cast %swap3A_374 : i32 to index
      %swap3A_376 = arith.index_cast %scan3A_353 : i32 to index
      %swap3A_377 = arith.constant 48 : index
      %swap3A_378 = tpu.vector_load %arg7[%swap3A_375, %swap3A_376, %swap3A_377] {strides = array<i32>} : memref<2x128x128xf32, #tpu.memory_space<vmem>>, vector<1x1x16xf32>,
      %swap3A_379 = vector.shape_cast %swap3A_378 : vector<1x1x16xf32> to vector<16xf32>
      %swap3A_380 = vector.shape_cast %broadcast_in_dim3A_28 : vector<16xf32> to vector<1x1x16xf32>
      tpu.vector_store %arg7[%swap3A_375, %swap3A_376, %swap3A_377], %swap3A_380 {strides = array<i32>} : memref<2x128x128xf32, #tpu.memory_space<vmem>>, vector<1x1x16xf32>,
      %swap3A_381 = arith.constant 0 : i32
      %swap3A_382 = arith.index_cast %swap3A_381 : i32 to index
      %swap3A_383 = arith.index_cast %scan3A_353 : i32 to index
      %swap3A_384 = arith.constant 64 : index
      %swap3A_385 = tpu.vector_load %arg7[%swap3A_382, %swap3A_383, %swap3A_384] {strides = array<i32>} : memref<2x128x128xf32, #tpu.memory_space<vmem>>, vector<1x1x16xf32>,
      %swap3A_386 = vector.shape_cast %swap3A_385 : vector<1x1x16xf32> to vector<16xf32>
      %swap3A_387 = vector.shape_cast %broadcast_in_dim3A_28 : vector<16xf32> to vector<1x1x16xf32>
      tpu.vector_store %arg7[%swap3A_382, %swap3A_383, %swap3A_384], %swap3A_387 {strides = array<i32>} : memref<2x128x128xf32, #tpu.memory_space<vmem>>, vector<1x1x16xf32>,
      %swap3A_388 = arith.constant 0 : i32
      %swap3A_389 = arith.index_cast %swap3A_388 : i32 to index
      %swap3A_390 = arith.index_cast %scan3A_353 : i32 to index
      %swap3A_391 = arith.constant 80 : index
      %swap3A_392 = tpu.vector_load %arg7[%swap3A_389, %swap3A_390, %swap3A_391] {strides = array<i32>} : memref<2x128x128xf32, #tpu.memory_space<vmem>>, vector<1x1x16xf32>,
      %swap3A_393 = vector.shape_cast %swap3A_392 : vector<1x1x16xf32> to vector<16xf32>
      %swap3A_394 = vector.shape_cast %broadcast_in_dim3A_28 : vector<16xf32> to vector<1x1x16xf32>
      tpu.vector_store %arg7[%swap3A_389, %swap3A_390, %swap3A_391], %swap3A_394 {strides = array<i32>} : memref<2x128x128xf32, #tpu.memory_space<vmem>>, vector<1x1x16xf32>,
      %swap3A_395 = arith.constant 0 : i32
      %swap3A_396 = arith.index_cast %swap3A_395 : i32 to index
      %swap3A_397 = arith.index_cast %scan3A_353 : i32 to index
      %swap3A_398 = arith.constant 96 : index
      %swap3A_399 = tpu.vector_load %arg7[%swap3A_396, %swap3A_397, %swap3A_398] {strides = array<i32>} : memref<2x128x128xf32, #tpu.memory_space<vmem>>, vector<1x1x16xf32>,
      %swap3A_400 = vector.shape_cast %swap3A_399 : vector<1x1x16xf32> to vector<16xf32>
      %swap3A_401 = vector.shape_cast %broadcast_in_dim3A_28 : vector<16xf32> to vector<1x1x16xf32>
      tpu.vector_store %arg7[%swap3A_396, %swap3A_397, %swap3A_398], %swap3A_401 {strides = array<i32>} : memref<2x128x128xf32, #tpu.memory_space<vmem>>, vector<1x1x16xf32>,
      %swap3A_402 = arith.constant 0 : i32
      %swap3A_403 = arith.index_cast %swap3A_402 : i32 to index
      %swap3A_404 = arith.index_cast %scan3A_353 : i32 to index
      %swap3A_405 = arith.constant 112 : index
      %swap3A_406 = tpu.vector_load %arg7[%swap3A_403, %swap3A_404, %swap3A_405] {strides = array<i32>} : memref<2x128x128xf32, #tpu.memory_space<vmem>>, vector<1x1x16xf32>,
      %swap3A_407 = vector.shape_cast %swap3A_406 : vector<1x1x16xf32> to vector<16xf32>
      %swap3A_408 = vector.shape_cast %broadcast_in_dim3A_28 : vector<16xf32> to vector<1x1x16xf32>
      tpu.vector_store %arg7[%swap3A_403, %swap3A_404, %swap3A_405], %swap3A_408 {strides = array<i32>} : memref<2x128x128xf32, #tpu.memory_space<vmem>>, vector<1x1x16xf32>,
    }
    %scan3A_33 = arith.constant 128 : i32
    %mul3A_34 = arith.constant 632 : i32
    %mul3A_35 = arith.muli %arg1, %mul3A_34 : i32
    %add3A_36 = arith.constant 0 : i32
    %add3A_37 = arith.addi %mul3A_35, %add3A_36 : i32
    %dma_start3A = arith.constant 0 : i32
    %dma_start3A_38 = arith.constant 1 : i32
    %dma_start3A_39 = arith.constant 0 : i32
    %dma_start3A_40 = arith.constant 0 : i32
    %dma_start3A_41 = tpu.memref_slice %arg7[%dma_start3A, %dma_start3A_39, %dma_start3A_40] : memref<2x128x128xf32, #tpu.memory_space<vmem>> -> memref<1x128x128xf32, #tpu.memory_space<vmem>>
    %dma_start3A_42 = tpu.memref_squeeze %dma_start3A_41 : memref<1x128x128xf32, #tpu.memory_space<vmem>> -> memref<128x128xf32, #tpu.memory_space<vmem>>
    %dma_start3A_43 = arith.constant 0 : i32
    %dma_start3A_44 = tpu.memref_slice %arg8[%add3A_37, %dma_start3A_43] : memref<10112x128xf32, #tpu.memory_space<vmem_shared>> -> memref<128x128xf32, #tpu.memory_space<vmem_shared>>
    %dma_start3A_45 = tpu.memref_slice %arg10[%dma_start3A_38] : memref<2x!tpu.dma_semaphore, #tpu.memory_space<semaphore_mem>> -> memref<1x!tpu.dma_semaphore, #tpu.memory_space<semaphore_mem>>
    %dma_start3A_46 = tpu.memref_squeeze %dma_start3A_45 : memref<1x!tpu.dma_semaphore, #tpu.memory_space<semaphore_mem>> -> memref<!tpu.dma_semaphore, #tpu.memory_space<semaphore_mem>>
    %dma_start3A_47 = arith.constant 0 : i32
    %dma_start3A_48 = tpu.memref_slice %arg8[%add3A_37, %dma_start3A_47] : memref<10112x128xf32, #tpu.memory_space<vmem_shared>> -> memref<128x128xf32, #tpu.memory_space<vmem_shared>>
    %dma_start3A_49 = arith.constant 0 : i32
    %dma_start3A_50 = arith.constant 0 : i32
    %dma_start3A_51 = tpu.memref_slice %arg7[%dma_start3A, %dma_start3A_49, %dma_start3A_50] : memref<2x128x128xf32, #tpu.memory_space<vmem>> -> memref<1x128x128xf32, #tpu.memory_space<vmem>>
    %dma_start3A_52 = tpu.memref_squeeze %dma_start3A_51 : memref<1x128x128xf32, #tpu.memory_space<vmem>> -> memref<128x128xf32, #tpu.memory_space<vmem>>
    tpu.enqueue_dma source(%dma_start3A_52 : memref<128x128xf32, #tpu.memory_space<vmem>>) target(%dma_start3A_48 : memref<128x128xf32, #tpu.memory_space<vmem_shared>>) target_semaphore(%dma_start3A_46 : memref<!tpu.dma_semaphore, #tpu.memory_space<semaphore_mem>>)
    %add3A_53 = arith.constant 128 : i32
    %add3A_54 = arith.addi %mul3A_35, %add3A_53 : i32
    %dma_start3A_55 = arith.constant 0 : i32
    %dma_start3A_56 = arith.constant 1 : i32
    %dma_start3A_57 = arith.constant 0 : i32
    %dma_start3A_58 = arith.constant 0 : i32
    %dma_start3A_59 = tpu.memref_slice %arg7[%dma_start3A_55, %dma_start3A_57, %dma_start3A_58] : memref<2x128x128xf32, #tpu.memory_space<vmem>> -> memref<1x128x128xf32, #tpu.memory_space<vmem>>
    %dma_start3A_60 = tpu.memref_squeeze %dma_start3A_59 : memref<1x128x128xf32, #tpu.memory_space<vmem>> -> memref<128x128xf32, #tpu.memory_space<vmem>>
    %dma_start3A_61 = arith.constant 0 : i32
    %dma_start3A_62 = tpu.memref_slice %arg8[%add3A_54, %dma_start3A_61] : memref<10112x128xf32, #tpu.memory_space<vmem_shared>> -> memref<128x128xf32, #tpu.memory_space<vmem_shared>>
    %dma_start3A_63 = tpu.memref_slice %arg10[%dma_start3A_56] : memref<2x!tpu.dma_semaphore, #tpu.memory_space<semaphore_mem>> -> memref<1x!tpu.dma_semaphore, #tpu.memory_space<semaphore_mem>>
    %dma_start3A_64 = tpu.memref_squeeze %dma_start3A_63 : memref<1x!tpu.dma_semaphore, #tpu.memory_space<semaphore_mem>> -> memref<!tpu.dma_semaphore, #tpu.memory_space<semaphore_mem>>
    %dma_start3A_65 = arith.constant 0 : i32
    %dma_start3A_66 = tpu.memref_slice %arg8[%add3A_54, %dma_start3A_65] : memref<10112x128xf32, #tpu.memory_space<vmem_shared>> -> memref<128x128xf32, #tpu.memory_space<vmem_shared>>
    %dma_start3A_67 = arith.constant 0 : i32
    %dma_start3A_68 = arith.constant 0 : i32
    %dma_start3A_69 = tpu.memref_slice %arg7[%dma_start3A_55, %dma_start3A_67, %dma_start3A_68] : memref<2x128x128xf32, #tpu.memory_space<vmem>> -> memref<1x128x128xf32, #tpu.memory_space<vmem>>
    %dma_start3A_70 = tpu.memref_squeeze %dma_start3A_69 : memref<1x128x128xf32, #tpu.memory_space<vmem>> -> memref<128x128xf32, #tpu.memory_space<vmem>>
    tpu.enqueue_dma source(%dma_start3A_70 : memref<128x128xf32, #tpu.memory_space<vmem>>) target(%dma_start3A_66 : memref<128x128xf32, #tpu.memory_space<vmem_shared>>) target_semaphore(%dma_start3A_64 : memref<!tpu.dma_semaphore, #tpu.memory_space<semaphore_mem>>)
    %add3A_71 = arith.constant 256 : i32
    %add3A_72 = arith.addi %mul3A_35, %add3A_71 : i32
    %dma_start3A_73 = arith.constant 0 : i32
    %dma_start3A_74 = arith.constant 1 : i32
    %dma_start3A_75 = arith.constant 0 : i32
    %dma_start3A_76 = arith.constant 0 : i32
    %dma_start3A_77 = tpu.memref_slice %arg7[%dma_start3A_73, %dma_start3A_75, %dma_start3A_76] : memref<2x128x128xf32, #tpu.memory_space<vmem>> -> memref<1x128x128xf32, #tpu.memory_space<vmem>>
    %dma_start3A_78 = tpu.memref_squeeze %dma_start3A_77 : memref<1x128x128xf32, #tpu.memory_space<vmem>> -> memref<128x128xf32, #tpu.memory_space<vmem>>
    %dma_start3A_79 = arith.constant 0 : i32
    %dma_start3A_80 = tpu.memref_slice %arg8[%add3A_72, %dma_start3A_79] : memref<10112x128xf32, #tpu.memory_space<vmem_shared>> -> memref<128x128xf32, #tpu.memory_space<vmem_shared>>
    %dma_start3A_81 = tpu.memref_slice %arg10[%dma_start3A_74] : memref<2x!tpu.dma_semaphore, #tpu.memory_space<semaphore_mem>> -> memref<1x!tpu.dma_semaphore, #tpu.memory_space<semaphore_mem>>
    %dma_start3A_82 = tpu.memref_squeeze %dma_start3A_81 : memref<1x!tpu.dma_semaphore, #tpu.memory_space<semaphore_mem>> -> memref<!tpu.dma_semaphore, #tpu.memory_space<semaphore_mem>>
    %dma_start3A_83 = arith.constant 0 : i32
    %dma_start3A_84 = tpu.memref_slice %arg8[%add3A_72, %dma_start3A_83] : memref<10112x128xf32, #tpu.memory_space<vmem_shared>> -> memref<128x128xf32, #tpu.memory_space<vmem_shared>>
    %dma_start3A_85 = arith.constant 0 : i32
    %dma_start3A_86 = arith.constant 0 : i32
    %dma_start3A_87 = tpu.memref_slice %arg7[%dma_start3A_73, %dma_start3A_85, %dma_start3A_86] : memref<2x128x128xf32, #tpu.memory_space<vmem>> -> memref<1x128x128xf32, #tpu.memory_space<vmem>>
    %dma_start3A_88 = tpu.memref_squeeze %dma_start3A_87 : memref<1x128x128xf32, #tpu.memory_space<vmem>> -> memref<128x128xf32, #tpu.memory_space<vmem>>
    tpu.enqueue_dma source(%dma_start3A_88 : memref<128x128xf32, #tpu.memory_space<vmem>>) target(%dma_start3A_84 : memref<128x128xf32, #tpu.memory_space<vmem_shared>>) target_semaphore(%dma_start3A_82 : memref<!tpu.dma_semaphore, #tpu.memory_space<semaphore_mem>>)
    %add3A_89 = arith.constant 384 : i32
    %add3A_90 = arith.addi %mul3A_35, %add3A_89 : i32
    %dma_start3A_91 = arith.constant 0 : i32
    %dma_start3A_92 = arith.constant 1 : i32
    %dma_start3A_93 = arith.constant 0 : i32
    %dma_start3A_94 = arith.constant 0 : i32
    %dma_start3A_95 = tpu.memref_slice %arg7[%dma_start3A_91, %dma_start3A_93, %dma_start3A_94] : memref<2x128x128xf32, #tpu.memory_space<vmem>> -> memref<1x128x128xf32, #tpu.memory_space<vmem>>
    %dma_start3A_96 = tpu.memref_squeeze %dma_start3A_95 : memref<1x128x128xf32, #tpu.memory_space<vmem>> -> memref<128x128xf32, #tpu.memory_space<vmem>>
    %dma_start3A_97 = arith.constant 0 : i32
    %dma_start3A_98 = tpu.memref_slice %arg8[%add3A_90, %dma_start3A_97] : memref<10112x128xf32, #tpu.memory_space<vmem_shared>> -> memref<128x128xf32, #tpu.memory_space<vmem_shared>>
    %dma_start3A_99 = tpu.memref_slice %arg10[%dma_start3A_92] : memref<2x!tpu.dma_semaphore, #tpu.memory_space<semaphore_mem>> -> memref<1x!tpu.dma_semaphore, #tpu.memory_space<semaphore_mem>>
    %dma_start3A_100 = tpu.memref_squeeze %dma_start3A_99 : memref<1x!tpu.dma_semaphore, #tpu.memory_space<semaphore_mem>> -> memref<!tpu.dma_semaphore, #tpu.memory_space<semaphore_mem>>
    %dma_start3A_101 = arith.constant 0 : i32
    %dma_start3A_102 = tpu.memref_slice %arg8[%add3A_90, %dma_start3A_101] : memref<10112x128xf32, #tpu.memory_space<vmem_shared>> -> memref<128x128xf32, #tpu.memory_space<vmem_shared>>
    %dma_start3A_103 = arith.constant 0 : i32
    %dma_start3A_104 = arith.constant 0 : i32
    %dma_start3A_105 = tpu.memref_slice %arg7[%dma_start3A_91, %dma_start3A_103, %dma_start3A_104] : memref<2x128x128xf32, #tpu.memory_space<vmem>> -> memref<1x128x128xf32, #tpu.memory_space<vmem>>
    %dma_start3A_106 = tpu.memref_squeeze %dma_start3A_105 : memref<1x128x128xf32, #tpu.memory_space<vmem>> -> memref<128x128xf32, #tpu.memory_space<vmem>>
    tpu.enqueue_dma source(%dma_start3A_106 : memref<128x128xf32, #tpu.memory_space<vmem>>) target(%dma_start3A_102 : memref<128x128xf32, #tpu.memory_space<vmem_shared>>) target_semaphore(%dma_start3A_100 : memref<!tpu.dma_semaphore, #tpu.memory_space<semaphore_mem>>)
    %add3A_107 = arith.constant 512 : i32
    %add3A_108 = arith.addi %mul3A_35, %add3A_107 : i32
    %dma_start3A_109 = arith.constant 0 : i32
    %dma_start3A_110 = arith.constant 1 : i32
    %dma_start3A_111 = arith.constant 0 : i32
    %dma_start3A_112 = arith.constant 0 : i32
    %dma_start3A_113 = tpu.memref_slice %arg7[%dma_start3A_109, %dma_start3A_111, %dma_start3A_112] : memref<2x128x128xf32, #tpu.memory_space<vmem>> -> memref<1x128x128xf32, #tpu.memory_space<vmem>>
    %dma_start3A_114 = tpu.memref_squeeze %dma_start3A_113 : memref<1x128x128xf32, #tpu.memory_space<vmem>> -> memref<128x128xf32, #tpu.memory_space<vmem>>
    %dma_start3A_115 = arith.constant 0 : i32
    %dma_start3A_116 = arith.constant 0 : i32
    %dma_start3A_117 = tpu.memref_slice %dma_start3A_114[%dma_start3A_115, %dma_start3A_116] : memref<128x128xf32, #tpu.memory_space<vmem>> -> memref<120x128xf32, #tpu.memory_space<vmem>>
    %dma_start3A_118 = arith.constant 0 : i32
    %dma_start3A_119 = tpu.memref_slice %arg8[%add3A_108, %dma_start3A_118] : memref<10112x128xf32, #tpu.memory_space<vmem_shared>> -> memref<120x128xf32, #tpu.memory_space<vmem_shared>>
    %dma_start3A_120 = tpu.memref_slice %arg10[%dma_start3A_110] : memref<2x!tpu.dma_semaphore, #tpu.memory_space<semaphore_mem>> -> memref<1x!tpu.dma_semaphore, #tpu.memory_space<semaphore_mem>>
    %dma_start3A_121 = tpu.memref_squeeze %dma_start3A_120 : memref<1x!tpu.dma_semaphore, #tpu.memory_space<semaphore_mem>> -> memref<!tpu.dma_semaphore, #tpu.memory_space<semaphore_mem>>
    %dma_start3A_122 = arith.constant 0 : i32
    %dma_start3A_123 = tpu.memref_slice %arg8[%add3A_108, %dma_start3A_122] : memref<10112x128xf32, #tpu.memory_space<vmem_shared>> -> memref<120x128xf32, #tpu.memory_space<vmem_shared>>
    %dma_start3A_124 = arith.constant 0 : i32
    %dma_start3A_125 = arith.constant 0 : i32
    %dma_start3A_126 = tpu.memref_slice %arg7[%dma_start3A_109, %dma_start3A_124, %dma_start3A_125] : memref<2x128x128xf32, #tpu.memory_space<vmem>> -> memref<1x128x128xf32, #tpu.memory_space<vmem>>
    %dma_start3A_127 = tpu.memref_squeeze %dma_start3A_126 : memref<1x128x128xf32, #tpu.memory_space<vmem>> -> memref<128x128xf32, #tpu.memory_space<vmem>>
    %dma_start3A_128 = arith.constant 0 : i32
    %dma_start3A_129 = arith.constant 0 : i32
    %dma_start3A_130 = tpu.memref_slice %dma_start3A_127[%dma_start3A_128, %dma_start3A_129] : memref<128x128xf32, #tpu.memory_space<vmem>> -> memref<120x128xf32, #tpu.memory_space<vmem>>
    tpu.enqueue_dma source(%dma_start3A_130 : memref<120x128xf32, #tpu.memory_space<vmem>>) target(%dma_start3A_123 : memref<120x128xf32, #tpu.memory_space<vmem_shared>>) target_semaphore(%dma_start3A_121 : memref<!tpu.dma_semaphore, #tpu.memory_space<semaphore_mem>>)
    %add3A_131 = arith.constant 1 : i32
    %add3A_132 = arith.addi %select_n3A_13, %add3A_131 : i32
    %dma_start3A_133 = arith.constant 1 : i32
    %dma_start3A_134 = arith.constant 1 : i32
    %dma_start3A_135 = arith.constant 0 : i32
    %dma_start3A_136 = arith.constant 0 : i32
    %dma_start3A_137 = tpu.memref_slice %arg7[%dma_start3A_133, %dma_start3A_135, %dma_start3A_136] : memref<2x128x128xf32, #tpu.memory_space<vmem>> -> memref<1x128x128xf32, #tpu.memory_space<vmem>>
    %dma_start3A_138 = tpu.memref_squeeze %dma_start3A_137 : memref<1x128x128xf32, #tpu.memory_space<vmem>> -> memref<128x128xf32, #tpu.memory_space<vmem>>
    %dma_start3A_139 = arith.constant 0 : i32
    %dma_start3A_140 = arith.constant 0 : i32
    %dma_start3A_141 = tpu.memref_slice %arg2[%add3A_132, %dma_start3A_139, %dma_start3A_140] : memref<2500x128x128xf32, #tpu.memory_space<hbm>> -> memref<1x128x128xf32, #tpu.memory_space<hbm>>
    %dma_start3A_142 = tpu.memref_squeeze %dma_start3A_141 : memref<1x128x128xf32, #tpu.memory_space<hbm>> -> memref<128x128xf32, #tpu.memory_space<hbm>>
    %dma_start3A_143 = tpu.memref_slice %arg9[%dma_start3A_134] : memref<2x!tpu.dma_semaphore, #tpu.memory_space<semaphore_mem>> -> memref<1x!tpu.dma_semaphore, #tpu.memory_space<semaphore_mem>>
    %dma_start3A_144 = tpu.memref_squeeze %dma_start3A_143 : memref<1x!tpu.dma_semaphore, #tpu.memory_space<semaphore_mem>> -> memref<!tpu.dma_semaphore, #tpu.memory_space<semaphore_mem>>
    %dma_start3A_145 = arith.constant 0 : i32
    %dma_start3A_146 = arith.constant 0 : i32
    %dma_start3A_147 = tpu.memref_slice %arg7[%dma_start3A_133, %dma_start3A_145, %dma_start3A_146] : memref<2x128x128xf32, #tpu.memory_space<vmem>> -> memref<1x128x128xf32, #tpu.memory_space<vmem>>
    %dma_start3A_148 = tpu.memref_squeeze %dma_start3A_147 : memref<1x128x128xf32, #tpu.memory_space<vmem>> -> memref<128x128xf32, #tpu.memory_space<vmem>>
    %dma_start3A_149 = arith.constant 0 : i32
    %dma_start3A_150 = arith.constant 0 : i32
    %dma_start3A_151 = tpu.memref_slice %arg2[%add3A_132, %dma_start3A_149, %dma_start3A_150] : memref<2500x128x128xf32, #tpu.memory_space<hbm>> -> memref<1x128x128xf32, #tpu.memory_space<hbm>>
    %dma_start3A_152 = tpu.memref_squeeze %dma_start3A_151 : memref<1x128x128xf32, #tpu.memory_space<hbm>> -> memref<128x128xf32, #tpu.memory_space<hbm>>
    tpu.enqueue_dma source(%dma_start3A_152 : memref<128x128xf32, #tpu.memory_space<hbm>>) target(%dma_start3A_148 : memref<128x128xf32, #tpu.memory_space<vmem>>) target_semaphore(%dma_start3A_144 : memref<!tpu.dma_semaphore, #tpu.memory_space<semaphore_mem>>)
    %add3A_153 = arith.constant 0 : i32
    %add3A_154 = arith.addi %mul3A_35, %add3A_153 : i32
    %dma_wait3A = arith.constant 0 : i32
    %dma_wait3A_155 = arith.constant 1 : i32
    %dma_wait3A_156 = arith.constant 0 : i32
    %dma_wait3A_157 = arith.constant 0 : i32
    %dma_wait3A_158 = tpu.memref_slice %arg7[%dma_wait3A, %dma_wait3A_156, %dma_wait3A_157] : memref<2x128x128xf32, #tpu.memory_space<vmem>> -> memref<1x128x128xf32, #tpu.memory_space<vmem>>
    %dma_wait3A_159 = tpu.memref_squeeze %dma_wait3A_158 : memref<1x128x128xf32, #tpu.memory_space<vmem>> -> memref<128x128xf32, #tpu.memory_space<vmem>>
    %dma_wait3A_160 = arith.constant 0 : i32
    %dma_wait3A_161 = tpu.memref_slice %arg8[%add3A_154, %dma_wait3A_160] : memref<10112x128xf32, #tpu.memory_space<vmem_shared>> -> memref<128x128xf32, #tpu.memory_space<vmem_shared>>
    %dma_wait3A_162 = tpu.memref_slice %arg10[%dma_wait3A_155] : memref<2x!tpu.dma_semaphore, #tpu.memory_space<semaphore_mem>> -> memref<1x!tpu.dma_semaphore, #tpu.memory_space<semaphore_mem>>
    %dma_wait3A_163 = tpu.memref_squeeze %dma_wait3A_162 : memref<1x!tpu.dma_semaphore, #tpu.memory_space<semaphore_mem>> -> memref<!tpu.dma_semaphore, #tpu.memory_space<semaphore_mem>>
    %dma_wait3A_164 = arith.constant 0 : i32
    %dma_wait3A_165 = tpu.memref_slice %arg8[%add3A_154, %dma_wait3A_164] : memref<10112x128xf32, #tpu.memory_space<vmem_shared>> -> memref<128x128xf32, #tpu.memory_space<vmem_shared>>
    %dma_wait3A_166 = arith.constant 0 : i32
    %dma_wait3A_167 = arith.constant 0 : i32
    %dma_wait3A_168 = tpu.memref_slice %arg7[%dma_wait3A, %dma_wait3A_166, %dma_wait3A_167] : memref<2x128x128xf32, #tpu.memory_space<vmem>> -> memref<1x128x128xf32, #tpu.memory_space<vmem>>
    %dma_wait3A_169 = tpu.memref_squeeze %dma_wait3A_168 : memref<1x128x128xf32, #tpu.memory_space<vmem>> -> memref<128x128xf32, #tpu.memory_space<vmem>>
    tpu.wait_dma2 semaphore(%dma_wait3A_163 : memref<!tpu.dma_semaphore, #tpu.memory_space<semaphore_mem>>) src(%dma_wait3A_169 : memref<128x128xf32, #tpu.memory_space<vmem>>) dst(%dma_wait3A_165 : memref<128x128xf32, #tpu.memory_space<vmem_shared>>)
    %add3A_170 = arith.constant 128 : i32
    %add3A_171 = arith.addi %mul3A_35, %add3A_170 : i32
    %dma_wait3A_172 = arith.constant 0 : i32
    %dma_wait3A_173 = arith.constant 1 : i32
    %dma_wait3A_174 = arith.constant 0 : i32
    %dma_wait3A_175 = arith.constant 0 : i32
    %dma_wait3A_176 = tpu.memref_slice %arg7[%dma_wait3A_172, %dma_wait3A_174, %dma_wait3A_175] : memref<2x128x128xf32, #tpu.memory_space<vmem>> -> memref<1x128x128xf32, #tpu.memory_space<vmem>>
    %dma_wait3A_177 = tpu.memref_squeeze %dma_wait3A_176 : memref<1x128x128xf32, #tpu.memory_space<vmem>> -> memref<128x128xf32, #tpu.memory_space<vmem>>
    %dma_wait3A_178 = arith.constant 0 : i32
    %dma_wait3A_179 = tpu.memref_slice %arg8[%add3A_171, %dma_wait3A_178] : memref<10112x128xf32, #tpu.memory_space<vmem_shared>> -> memref<128x128xf32, #tpu.memory_space<vmem_shared>>
    %dma_wait3A_180 = tpu.memref_slice %arg10[%dma_wait3A_173] : memref<2x!tpu.dma_semaphore, #tpu.memory_space<semaphore_mem>> -> memref<1x!tpu.dma_semaphore, #tpu.memory_space<semaphore_mem>>
    %dma_wait3A_181 = tpu.memref_squeeze %dma_wait3A_180 : memref<1x!tpu.dma_semaphore, #tpu.memory_space<semaphore_mem>> -> memref<!tpu.dma_semaphore, #tpu.memory_space<semaphore_mem>>
    %dma_wait3A_182 = arith.constant 0 : i32
    %dma_wait3A_183 = tpu.memref_slice %arg8[%add3A_171, %dma_wait3A_182] : memref<10112x128xf32, #tpu.memory_space<vmem_shared>> -> memref<128x128xf32, #tpu.memory_space<vmem_shared>>
    %dma_wait3A_184 = arith.constant 0 : i32
    %dma_wait3A_185 = arith.constant 0 : i32
    %dma_wait3A_186 = tpu.memref_slice %arg7[%dma_wait3A_172, %dma_wait3A_184, %dma_wait3A_185] : memref<2x128x128xf32, #tpu.memory_space<vmem>> -> memref<1x128x128xf32, #tpu.memory_space<vmem>>
    %dma_wait3A_187 = tpu.memref_squeeze %dma_wait3A_186 : memref<1x128x128xf32, #tpu.memory_space<vmem>> -> memref<128x128xf32, #tpu.memory_space<vmem>>
    tpu.wait_dma2 semaphore(%dma_wait3A_181 : memref<!tpu.dma_semaphore, #tpu.memory_space<semaphore_mem>>) src(%dma_wait3A_187 : memref<128x128xf32, #tpu.memory_space<vmem>>) dst(%dma_wait3A_183 : memref<128x128xf32, #tpu.memory_space<vmem_shared>>)
    %add3A_188 = arith.constant 256 : i32
    %add3A_189 = arith.addi %mul3A_35, %add3A_188 : i32
    %dma_wait3A_190 = arith.constant 0 : i32
    %dma_wait3A_191 = arith.constant 1 : i32
    %dma_wait3A_192 = arith.constant 0 : i32
    %dma_wait3A_193 = arith.constant 0 : i32
    %dma_wait3A_194 = tpu.memref_slice %arg7[%dma_wait3A_190, %dma_wait3A_192, %dma_wait3A_193] : memref<2x128x128xf32, #tpu.memory_space<vmem>> -> memref<1x128x128xf32, #tpu.memory_space<vmem>>
    %dma_wait3A_195 = tpu.memref_squeeze %dma_wait3A_194 : memref<1x128x128xf32, #tpu.memory_space<vmem>> -> memref<128x128xf32, #tpu.memory_space<vmem>>
    %dma_wait3A_196 = arith.constant 0 : i32
    %dma_wait3A_197 = tpu.memref_slice %arg8[%add3A_189, %dma_wait3A_196] : memref<10112x128xf32, #tpu.memory_space<vmem_shared>> -> memref<128x128xf32, #tpu.memory_space<vmem_shared>>
    %dma_wait3A_198 = tpu.memref_slice %arg10[%dma_wait3A_191] : memref<2x!tpu.dma_semaphore, #tpu.memory_space<semaphore_mem>> -> memref<1x!tpu.dma_semaphore, #tpu.memory_space<semaphore_mem>>
    %dma_wait3A_199 = tpu.memref_squeeze %dma_wait3A_198 : memref<1x!tpu.dma_semaphore, #tpu.memory_space<semaphore_mem>> -> memref<!tpu.dma_semaphore, #tpu.memory_space<semaphore_mem>>
    %dma_wait3A_200 = arith.constant 0 : i32
    %dma_wait3A_201 = tpu.memref_slice %arg8[%add3A_189, %dma_wait3A_200] : memref<10112x128xf32, #tpu.memory_space<vmem_shared>> -> memref<128x128xf32, #tpu.memory_space<vmem_shared>>
    %dma_wait3A_202 = arith.constant 0 : i32
    %dma_wait3A_203 = arith.constant 0 : i32
    %dma_wait3A_204 = tpu.memref_slice %arg7[%dma_wait3A_190, %dma_wait3A_202, %dma_wait3A_203] : memref<2x128x128xf32, #tpu.memory_space<vmem>> -> memref<1x128x128xf32, #tpu.memory_space<vmem>>
    %dma_wait3A_205 = tpu.memref_squeeze %dma_wait3A_204 : memref<1x128x128xf32, #tpu.memory_space<vmem>> -> memref<128x128xf32, #tpu.memory_space<vmem>>
    tpu.wait_dma2 semaphore(%dma_wait3A_199 : memref<!tpu.dma_semaphore, #tpu.memory_space<semaphore_mem>>) src(%dma_wait3A_205 : memref<128x128xf32, #tpu.memory_space<vmem>>) dst(%dma_wait3A_201 : memref<128x128xf32, #tpu.memory_space<vmem_shared>>)
    %add3A_206 = arith.constant 384 : i32
    %add3A_207 = arith.addi %mul3A_35, %add3A_206 : i32
    %dma_wait3A_208 = arith.constant 0 : i32
    %dma_wait3A_209 = arith.constant 1 : i32
    %dma_wait3A_210 = arith.constant 0 : i32
    %dma_wait3A_211 = arith.constant 0 : i32
    %dma_wait3A_212 = tpu.memref_slice %arg7[%dma_wait3A_208, %dma_wait3A_210, %dma_wait3A_211] : memref<2x128x128xf32, #tpu.memory_space<vmem>> -> memref<1x128x128xf32, #tpu.memory_space<vmem>>
    %dma_wait3A_213 = tpu.memref_squeeze %dma_wait3A_212 : memref<1x128x128xf32, #tpu.memory_space<vmem>> -> memref<128x128xf32, #tpu.memory_space<vmem>>
    %dma_wait3A_214 = arith.constant 0 : i32
    %dma_wait3A_215 = tpu.memref_slice %arg8[%add3A_207, %dma_wait3A_214] : memref<10112x128xf32, #tpu.memory_space<vmem_shared>> -> memref<128x128xf32, #tpu.memory_space<vmem_shared>>
    %dma_wait3A_216 = tpu.memref_slice %arg10[%dma_wait3A_209] : memref<2x!tpu.dma_semaphore, #tpu.memory_space<semaphore_mem>> -> memref<1x!tpu.dma_semaphore, #tpu.memory_space<semaphore_mem>>
    %dma_wait3A_217 = tpu.memref_squeeze %dma_wait3A_216 : memref<1x!tpu.dma_semaphore, #tpu.memory_space<semaphore_mem>> -> memref<!tpu.dma_semaphore, #tpu.memory_space<semaphore_mem>>
    %dma_wait3A_218 = arith.constant 0 : i32
    %dma_wait3A_219 = tpu.memref_slice %arg8[%add3A_207, %dma_wait3A_218] : memref<10112x128xf32, #tpu.memory_space<vmem_shared>> -> memref<128x128xf32, #tpu.memory_space<vmem_shared>>
    %dma_wait3A_220 = arith.constant 0 : i32
    %dma_wait3A_221 = arith.constant 0 : i32
    %dma_wait3A_222 = tpu.memref_slice %arg7[%dma_wait3A_208, %dma_wait3A_220, %dma_wait3A_221] : memref<2x128x128xf32, #tpu.memory_space<vmem>> -> memref<1x128x128xf32, #tpu.memory_space<vmem>>
    %dma_wait3A_223 = tpu.memref_squeeze %dma_wait3A_222 : memref<1x128x128xf32, #tpu.memory_space<vmem>> -> memref<128x128xf32, #tpu.memory_space<vmem>>
    tpu.wait_dma2 semaphore(%dma_wait3A_217 : memref<!tpu.dma_semaphore, #tpu.memory_space<semaphore_mem>>) src(%dma_wait3A_223 : memref<128x128xf32, #tpu.memory_space<vmem>>) dst(%dma_wait3A_219 : memref<128x128xf32, #tpu.memory_space<vmem_shared>>)
    %add3A_224 = arith.constant 512 : i32
    %add3A_225 = arith.addi %mul3A_35, %add3A_224 : i32
    %dma_wait3A_226 = arith.constant 0 : i32
    %dma_wait3A_227 = arith.constant 1 : i32
    %dma_wait3A_228 = arith.constant 0 : i32
    %dma_wait3A_229 = arith.constant 0 : i32
    %dma_wait3A_230 = tpu.memref_slice %arg7[%dma_wait3A_226, %dma_wait3A_228, %dma_wait3A_229] : memref<2x128x128xf32, #tpu.memory_space<vmem>> -> memref<1x128x128xf32, #tpu.memory_space<vmem>>
    %dma_wait3A_231 = tpu.memref_squeeze %dma_wait3A_230 : memref<1x128x128xf32, #tpu.memory_space<vmem>> -> memref<128x128xf32, #tpu.memory_space<vmem>>
    %dma_wait3A_232 = arith.constant 0 : i32
    %dma_wait3A_233 = arith.constant 0 : i32
    %dma_wait3A_234 = tpu.memref_slice %dma_wait3A_231[%dma_wait3A_232, %dma_wait3A_233] : memref<128x128xf32, #tpu.memory_space<vmem>> -> memref<120x128xf32, #tpu.memory_space<vmem>>
    %dma_wait3A_235 = arith.constant 0 : i32
    %dma_wait3A_236 = tpu.memref_slice %arg8[%add3A_225, %dma_wait3A_235] : memref<10112x128xf32, #tpu.memory_space<vmem_shared>> -> memref<120x128xf32, #tpu.memory_space<vmem_shared>>
    %dma_wait3A_237 = tpu.memref_slice %arg10[%dma_wait3A_227] : memref<2x!tpu.dma_semaphore, #tpu.memory_space<semaphore_mem>> -> memref<1x!tpu.dma_semaphore, #tpu.memory_space<semaphore_mem>>
    %dma_wait3A_238 = tpu.memref_squeeze %dma_wait3A_237 : memref<1x!tpu.dma_semaphore, #tpu.memory_space<semaphore_mem>> -> memref<!tpu.dma_semaphore, #tpu.memory_space<semaphore_mem>>
    %dma_wait3A_239 = arith.constant 0 : i32
    %dma_wait3A_240 = tpu.memref_slice %arg8[%add3A_225, %dma_wait3A_239] : memref<10112x128xf32, #tpu.memory_space<vmem_shared>> -> memref<120x128xf32, #tpu.memory_space<vmem_shared>>
    %dma_wait3A_241 = arith.constant 0 : i32
    %dma_wait3A_242 = arith.constant 0 : i32
    %dma_wait3A_243 = tpu.memref_slice %arg7[%dma_wait3A_226, %dma_wait3A_241, %dma_wait3A_242] : memref<2x128x128xf32, #tpu.memory_space<vmem>> -> memref<1x128x128xf32, #tpu.memory_space<vmem>>
    %dma_wait3A_244 = tpu.memref_squeeze %dma_wait3A_243 : memref<1x128x128xf32, #tpu.memory_space<vmem>> -> memref<128x128xf32, #tpu.memory_space<vmem>>
    %dma_wait3A_245 = arith.constant 0 : i32
    %dma_wait3A_246 = arith.constant 0 : i32
    %dma_wait3A_247 = tpu.memref_slice %dma_wait3A_244[%dma_wait3A_245, %dma_wait3A_246] : memref<128x128xf32, #tpu.memory_space<vmem>> -> memref<120x128xf32, #tpu.memory_space<vmem>>
    tpu.wait_dma2 semaphore(%dma_wait3A_238 : memref<!tpu.dma_semaphore, #tpu.memory_space<semaphore_mem>>) src(%dma_wait3A_247 : memref<120x128xf32, #tpu.memory_space<vmem>>) dst(%dma_wait3A_240 : memref<120x128xf32, #tpu.memory_space<vmem_shared>>)
    %dma_start3A_248 = arith.constant 0 : i32
    %dma_start3A_249 = arith.constant 0 : i32
    %dma_start3A_250 = arith.constant 0 : i32
    %dma_start3A_251 = arith.constant 0 : i32
    %dma_start3A_252 = tpu.memref_slice %arg7[%dma_start3A_248, %dma_start3A_250, %dma_start3A_251] : memref<2x128x128xf32, #tpu.memory_space<vmem>> -> memref<1x128x128xf32, #tpu.memory_space<vmem>>
    %dma_start3A_253 = tpu.memref_squeeze %dma_start3A_252 : memref<1x128x128xf32, #tpu.memory_space<vmem>> -> memref<128x128xf32, #tpu.memory_space<vmem>>
    %dma_start3A_254 = arith.constant 0 : i32
    %dma_start3A_255 = arith.constant 0 : i32
    %dma_start3A_256 = tpu.memref_slice %arg2[%select_n3A_13, %dma_start3A_254, %dma_start3A_255] : memref<2500x128x128xf32, #tpu.memory_space<hbm>> -> memref<1x128x128xf32, #tpu.memory_space<hbm>>
    %dma_start3A_257 = tpu.memref_squeeze %dma_start3A_256 : memref<1x128x128xf32, #tpu.memory_space<hbm>> -> memref<128x128xf32, #tpu.memory_space<hbm>>
    %dma_start3A_258 = tpu.memref_slice %arg9[%dma_start3A_249] : memref<2x!tpu.dma_semaphore, #tpu.memory_space<semaphore_mem>> -> memref<1x!tpu.dma_semaphore, #tpu.memory_space<semaphore_mem>>
    %dma_start3A_259 = tpu.memref_squeeze %dma_start3A_258 : memref<1x!tpu.dma_semaphore, #tpu.memory_space<semaphore_mem>> -> memref<!tpu.dma_semaphore, #tpu.memory_space<semaphore_mem>>
    %dma_start3A_260 = arith.constant 0 : i32
    %dma_start3A_261 = arith.constant 0 : i32
    %dma_start3A_262 = tpu.memref_slice %arg7[%dma_start3A_248, %dma_start3A_260, %dma_start3A_261] : memref<2x128x128xf32, #tpu.memory_space<vmem>> -> memref<1x128x128xf32, #tpu.memory_space<vmem>>
    %dma_start3A_263 = tpu.memref_squeeze %dma_start3A_262 : memref<1x128x128xf32, #tpu.memory_space<vmem>> -> memref<128x128xf32, #tpu.memory_space<vmem>>
    %dma_start3A_264 = arith.constant 0 : i32
    %dma_start3A_265 = arith.constant 0 : i32
    %dma_start3A_266 = tpu.memref_slice %arg2[%select_n3A_13, %dma_start3A_264, %dma_start3A_265] : memref<2500x128x128xf32, #tpu.memory_space<hbm>> -> memref<1x128x128xf32, #tpu.memory_space<hbm>>
    %dma_start3A_267 = tpu.memref_squeeze %dma_start3A_266 : memref<1x128x128xf32, #tpu.memory_space<hbm>> -> memref<128x128xf32, #tpu.memory_space<hbm>>
    tpu.enqueue_dma source(%dma_start3A_267 : memref<128x128xf32, #tpu.memory_space<hbm>>) target(%dma_start3A_263 : memref<128x128xf32, #tpu.memory_space<vmem>>) target_semaphore(%dma_start3A_259 : memref<!tpu.dma_semaphore, #tpu.memory_space<semaphore_mem>>)
    %ne3A_268 = arith.constant 15 : i32
    %ne3A_269 = arith.cmpi ne, %add3A, %ne3A_268 : i32
    %ne3A_270 = arith.constant 31 : i32
    %ne3A_271 = arith.cmpi ne, %add3A, %ne3A_270 : i32
    %and3A_272 = arith.andi %ne3A_269, %ne3A_271 : i1
    %convert_element_type3A_273 = arith.extui %and3A_272 : i1 to i32
    %cond3A_274 = arith.constant 0 : i32
    %cond3A_275 = arith.cmpi ne, %convert_element_type3A_273, %cond3A_274 : i32
    scf.if %cond3A_275 {
      %dma_wait3A_353 = arith.constant 0 : i32
      %dma_wait3A_354 = arith.constant 0 : i32
      %dma_wait3A_355 = tpu.memref_slice %arg3[%select_n3A_13, %dma_wait3A_354] : memref<2500x128xi32, #tpu.memory_space<hbm>> -> memref<80x128xi32, #tpu.memory_space<hbm>>
      %dma_wait3A_356 = tpu.memref_slice %arg10[%dma_wait3A_353] : memref<2x!tpu.dma_semaphore, #tpu.memory_space<semaphore_mem>> -> memref<1x!tpu.dma_semaphore, #tpu.memory_space<semaphore_mem>>
      %dma_wait3A_357 = tpu.memref_squeeze %dma_wait3A_356 : memref<1x!tpu.dma_semaphore, #tpu.memory_space<semaphore_mem>> -> memref<!tpu.dma_semaphore, #tpu.memory_space<semaphore_mem>>
      %dma_wait3A_358 = arith.constant 0 : i32
      %dma_wait3A_359 = tpu.memref_slice %arg3[%select_n3A_13, %dma_wait3A_358] : memref<2500x128xi32, #tpu.memory_space<hbm>> -> memref<80x128xi32, #tpu.memory_space<hbm>>
      tpu.wait_dma2 semaphore(%dma_wait3A_357 : memref<!tpu.dma_semaphore, #tpu.memory_space<semaphore_mem>>) src(%dma_wait3A_359 : memref<80x128xi32, #tpu.memory_space<hbm>>) dst(%arg6 : memref<80x128xi32, #tpu.memory_space<vmem>>)
    } else {
    }
    %eq3A_276 = arith.constant 15 : i32
    %eq3A_277 = arith.cmpi eq, %add3A, %eq3A_276 : i32
    %convert_element_type3A_278 = arith.extui %eq3A_277 : i1 to i32
    %cond3A_279 = arith.constant 0 : i32
    %cond3A_280 = arith.cmpi ne, %convert_element_type3A_278, %cond3A_279 : i32
    scf.if %cond3A_280 {
      %dma_wait3A_353 = arith.constant 0 : i32
      %dma_wait3A_354 = arith.constant 0 : i32
      %dma_wait3A_355 = arith.constant 0 : i32
      %dma_wait3A_356 = tpu.memref_slice %arg6[%dma_wait3A_354, %dma_wait3A_355] : memref<80x128xi32, #tpu.memory_space<vmem>> -> memref<48x128xi32, #tpu.memory_space<vmem>>
      %dma_wait3A_357 = arith.constant 0 : i32
      %dma_wait3A_358 = tpu.memref_slice %arg3[%select_n3A_13, %dma_wait3A_357] : memref<2500x128xi32, #tpu.memory_space<hbm>> -> memref<48x128xi32, #tpu.memory_space<hbm>>
      %dma_wait3A_359 = tpu.memref_slice %arg10[%dma_wait3A_353] : memref<2x!tpu.dma_semaphore, #tpu.memory_space<semaphore_mem>> -> memref<1x!tpu.dma_semaphore, #tpu.memory_space<semaphore_mem>>
      %dma_wait3A_360 = tpu.memref_squeeze %dma_wait3A_359 : memref<1x!tpu.dma_semaphore, #tpu.memory_space<semaphore_mem>> -> memref<!tpu.dma_semaphore, #tpu.memory_space<semaphore_mem>>
      %dma_wait3A_361 = arith.constant 0 : i32
      %dma_wait3A_362 = arith.constant 0 : i32
      %dma_wait3A_363 = tpu.memref_slice %arg6[%dma_wait3A_361, %dma_wait3A_362] : memref<80x128xi32, #tpu.memory_space<vmem>> -> memref<48x128xi32, #tpu.memory_space<vmem>>
      %dma_wait3A_364 = arith.constant 0 : i32
      %dma_wait3A_365 = tpu.memref_slice %arg3[%select_n3A_13, %dma_wait3A_364] : memref<2500x128xi32, #tpu.memory_space<hbm>> -> memref<48x128xi32, #tpu.memory_space<hbm>>
      tpu.wait_dma2 semaphore(%dma_wait3A_360 : memref<!tpu.dma_semaphore, #tpu.memory_space<semaphore_mem>>) src(%dma_wait3A_365 : memref<48x128xi32, #tpu.memory_space<hbm>>) dst(%dma_wait3A_363 : memref<48x128xi32, #tpu.memory_space<vmem>>)
    } else {
    }
    %eq3A_281 = arith.constant 31 : i32
    %eq3A_282 = arith.cmpi eq, %add3A, %eq3A_281 : i32
    %convert_element_type3A_283 = arith.extui %eq3A_282 : i1 to i32
    %cond3A_284 = arith.constant 0 : i32
    %cond3A_285 = arith.cmpi ne, %convert_element_type3A_283, %cond3A_284 : i32
    scf.if %cond3A_285 {
      %dma_wait3A_353 = arith.constant 0 : i32
      %dma_wait3A_354 = arith.constant 0 : i32
      %dma_wait3A_355 = arith.constant 0 : i32
      %dma_wait3A_356 = tpu.memref_slice %arg6[%dma_wait3A_354, %dma_wait3A_355] : memref<80x128xi32, #tpu.memory_space<vmem>> -> memref<56x128xi32, #tpu.memory_space<vmem>>
      %dma_wait3A_357 = tpu.memref_slice %arg10[%dma_wait3A_353] : memref<2x!tpu.dma_semaphore, #tpu.memory_space<semaphore_mem>> -> memref<1x!tpu.dma_semaphore, #tpu.memory_space<semaphore_mem>>
      %dma_wait3A_358 = tpu.memref_squeeze %dma_wait3A_357 : memref<1x!tpu.dma_semaphore, #tpu.memory_space<semaphore_mem>> -> memref<!tpu.dma_semaphore, #tpu.memory_space<semaphore_mem>>
      %dma_wait3A_359 = arith.constant 0 : i32
      %dma_wait3A_360 = arith.constant 0 : i32
      %dma_wait3A_361 = tpu.memref_slice %arg6[%dma_wait3A_359, %dma_wait3A_360] : memref<80x128xi32, #tpu.memory_space<vmem>> -> memref<56x128xi32, #tpu.memory_space<vmem>>
      tpu.wait_dma2 semaphore(%dma_wait3A_358 : memref<!tpu.dma_semaphore, #tpu.memory_space<semaphore_mem>>) src(%arg4 : memref<56x128xi32, #tpu.memory_space<hbm>>) dst(%dma_wait3A_361 : memref<56x128xi32, #tpu.memory_space<vmem>>)
    } else {
    }
    %barrier3A = arith.constant 0 : index
    tpu.barrier barrier_id(%barrier3A)
    %jit3A_286 = arith.constant 2 : i32
    %div3A = arith.divsi %select_n3A_6, %jit3A_286 : i32
    %sign3A = arith.constant 0 : i32
    %sign3A_287 = arith.cmpi sgt, %select_n3A_6, %sign3A : i32
    %sign3A_288 = arith.extui %sign3A_287 : i1 to i32
    %sign3A_289 = arith.constant 0 : i32
    %sign3A_290 = arith.cmpi slt, %select_n3A_6, %sign3A_289 : i32
    %sign3A_291 = arith.extui %sign3A_290 : i1 to i32
    %sign3A_292 = arith.subi %sign3A_288, %sign3A_291 : i32
    %sign3A_293 = arith.constant 0 : i32
    %sign3A_294 = arith.cmpi sgt, %jit3A_286, %sign3A_293 : i32
    %sign3A_295 = arith.extui %sign3A_294 : i1 to i32
    %sign3A_296 = arith.constant 0 : i32
    %sign3A_297 = arith.cmpi slt, %jit3A_286, %sign3A_296 : i32
    %sign3A_298 = arith.extui %sign3A_297 : i1 to i32
    %sign3A_299 = arith.subi %sign3A_295, %sign3A_298 : i32
    %ne3A_300 = arith.cmpi ne, %sign3A_292, %sign3A_299 : i32
    %rem3A = arith.remsi %select_n3A_6, %jit3A_286 : i32
    %ne3A_301 = arith.constant 0 : i32
    %ne3A_302 = arith.cmpi ne, %rem3A, %ne3A_301 : i32
    %and3A_303 = arith.andi %ne3A_300, %ne3A_302 : i1
    %sub3A_304 = arith.constant 1 : i32
    %sub3A_305 = arith.subi %div3A, %sub3A_304 : i32
    %select_n3A_306 = arith.select %and3A_303, %sub3A_305, %div3A : i32
    %while3A = arith.constant 0 : i32
    %while3A_307 = arith.constant 0 : i32
    %while3A_308 = arith.subi %select_n3A_306, %while3A_307 : i32
    %while3A_309 = arith.addi %while3A_307, %while3A_308 : i32
    %while3A_310 = arith.constant 1 : i32
    %while3A_311 = arith.divsi %while3A_308, %while3A_310 : i32
    %while3A_312 = arith.muli %while3A_311, %while3A_310 : i32
    %while3A_313 = arith.addi %while3A_307, %while3A_312 : i32
    %while3A_314 = arith.constant 1 : i32
    scf.for %while3A_353 = %while3A_307 to %while3A_313 step %while3A_314  : i32 {
      %mul3A_354 = arith.constant 2 : i32
      %mul3A_355 = arith.muli %while3A_353, %mul3A_354 : i32
      %add3A_356 = arith.constant 0 : i32
      %add3A_357 = arith.addi %mul3A_355, %add3A_356 : i32
      %add3A_358 = arith.addi %select_n3A_13, %add3A_357 : i32
      %dma_wait3A_359 = arith.constant 0 : i32
      %dma_wait3A_360 = arith.constant 0 : i32
      %dma_wait3A_361 = arith.constant 0 : i32
      %dma_wait3A_362 = arith.constant 0 : i32
      %dma_wait3A_363 = tpu.memref_slice %arg7[%dma_wait3A_359, %dma_wait3A_361, %dma_wait3A_362] : memref<2x128x128xf32, #tpu.memory_space<vmem>> -> memref<1x128x128xf32, #tpu.memory_space<vmem>>
      %dma_wait3A_364 = tpu.memref_squeeze %dma_wait3A_363 : memref<1x128x128xf32, #tpu.memory_space<vmem>> -> memref<128x128xf32, #tpu.memory_space<vmem>>
      %dma_wait3A_365 = arith.constant 0 : i32
      %dma_wait3A_366 = arith.constant 0 : i32
      %dma_wait3A_367 = tpu.memref_slice %arg2[%add3A_358, %dma_wait3A_365, %dma_wait3A_366] : memref<2500x128x128xf32, #tpu.memory_space<hbm>> -> memref<1x128x128xf32, #tpu.memory_space<hbm>>
      %dma_wait3A_368 = tpu.memref_squeeze %dma_wait3A_367 : memref<1x128x128xf32, #tpu.memory_space<hbm>> -> memref<128x128xf32, #tpu.memory_space<hbm>>
      %dma_wait3A_369 = tpu.memref_slice %arg9[%dma_wait3A_360] : memref<2x!tpu.dma_semaphore, #tpu.memory_space<semaphore_mem>> -> memref<1x!tpu.dma_semaphore, #tpu.memory_space<semaphore_mem>>
      %dma_wait3A_370 = tpu.memref_squeeze %dma_wait3A_369 : memref<1x!tpu.dma_semaphore, #tpu.memory_space<semaphore_mem>> -> memref<!tpu.dma_semaphore, #tpu.memory_space<semaphore_mem>>
      %dma_wait3A_371 = arith.constant 0 : i32
      %dma_wait3A_372 = arith.constant 0 : i32
      %dma_wait3A_373 = tpu.memref_slice %arg7[%dma_wait3A_359, %dma_wait3A_371, %dma_wait3A_372] : memref<2x128x128xf32, #tpu.memory_space<vmem>> -> memref<1x128x128xf32, #tpu.memory_space<vmem>>
      %dma_wait3A_374 = tpu.memref_squeeze %dma_wait3A_373 : memref<1x128x128xf32, #tpu.memory_space<vmem>> -> memref<128x128xf32, #tpu.memory_space<vmem>>
      %dma_wait3A_375 = arith.constant 0 : i32
      %dma_wait3A_376 = arith.constant 0 : i32
      %dma_wait3A_377 = tpu.memref_slice %arg2[%add3A_358, %dma_wait3A_375, %dma_wait3A_376] : memref<2500x128x128xf32, #tpu.memory_space<hbm>> -> memref<1x128x128xf32, #tpu.memory_space<hbm>>
      %dma_wait3A_378 = tpu.memref_squeeze %dma_wait3A_377 : memref<1x128x128xf32, #tpu.memory_space<hbm>> -> memref<128x128xf32, #tpu.memory_space<hbm>>
      tpu.wait_dma2 semaphore(%dma_wait3A_370 : memref<!tpu.dma_semaphore, #tpu.memory_space<semaphore_mem>>) src(%dma_wait3A_378 : memref<128x128xf32, #tpu.memory_space<hbm>>) dst(%dma_wait3A_374 : memref<128x128xf32, #tpu.memory_space<vmem>>)
      %dma_start3A_379 = arith.constant 0 : i32
      %dma_start3A_380 = arith.constant 0 : i32
      %dma_start3A_381 = arith.constant 0 : i32
      %dma_start3A_382 = arith.constant 0 : i32
      %dma_start3A_383 = tpu.memref_slice %arg7[%dma_start3A_379, %dma_start3A_381, %dma_start3A_382] : memref<2x128x128xf32, #tpu.memory_space<vmem>> -> memref<1x128x128xf32, #tpu.memory_space<vmem>>
      %dma_start3A_384 = tpu.memref_squeeze %dma_start3A_383 : memref<1x128x128xf32, #tpu.memory_space<vmem>> -> memref<128x128xf32, #tpu.memory_space<vmem>>
      %dma_start3A_385 = arith.constant 0 : i32
      %dma_start3A_386 = tpu.memref_slice %arg6[%add3A_357, %dma_start3A_385] : memref<80x128xi32, #tpu.memory_space<vmem>> -> memref<1x128xi32, #tpu.memory_space<vmem>>
      %dma_start3A_387 = tpu.memref_squeeze %dma_start3A_386 : memref<1x128xi32, #tpu.memory_space<vmem>> -> memref<128xi32, #tpu.memory_space<vmem>>
      %dma_start3A_388 = arith.constant 0 : i32
      %dma_start3A_389 = arith.constant 0 : i32
      %dma_start3A_390 = tpu.memref_slice %arg8[%dma_start3A_388, %dma_start3A_389] : memref<10112x128xf32, #tpu.memory_space<vmem_shared>> -> memref<10112x128xf32, #tpu.memory_space<vmem_shared>>
      %dma_start3A_391 = tpu.memref_slice %arg10[%dma_start3A_380] : memref<2x!tpu.dma_semaphore, #tpu.memory_space<semaphore_mem>> -> memref<1x!tpu.dma_semaphore, #tpu.memory_space<semaphore_mem>>
      %dma_start3A_392 = tpu.memref_squeeze %dma_start3A_391 : memref<1x!tpu.dma_semaphore, #tpu.memory_space<semaphore_mem>> -> memref<!tpu.dma_semaphore, #tpu.memory_space<semaphore_mem>>
      tpu.enqueue_indirect_dma source(%dma_start3A_384 : memref<128x128xf32, #tpu.memory_space<vmem>>) target(%dma_start3A_390 : memref<10112x128xf32, #tpu.memory_space<vmem_shared>>) offsets(%dma_start3A_387 : memref<128xi32, #tpu.memory_space<vmem>>) semaphore(%dma_start3A_392 : memref<!tpu.dma_semaphore, #tpu.memory_space<semaphore_mem>>) {add = true}
      %sub3A_393 = arith.constant 1 : i32
      %sub3A_394 = arith.subi %select_n3A_306, %sub3A_393 : i32
      %lt3A_395 = arith.cmpi slt, %while3A_353, %sub3A_394 : i32
      %convert_element_type3A_396 = arith.extui %lt3A_395 : i1 to i32
      %cond3A_397 = arith.constant 0 : i32
      %cond3A_398 = arith.constant 0 : i32
      %cond3A_399 = arith.constant 0 : i32
      %cond3A_400 = arith.cmpi ne, %convert_element_type3A_396, %cond3A_399 : i32
      scf.if %cond3A_400 {
        %dma_wait3A_448 = arith.constant 0 : i32
        %dma_wait3A_449 = arith.constant 0 : i32
        %dma_wait3A_450 = tpu.memref_slice %arg7[%cond3A_397, %dma_wait3A_448, %dma_wait3A_449] : memref<2x128x128xf32, #tpu.memory_space<vmem>> -> memref<1x128x128xf32, #tpu.memory_space<vmem>>
        %dma_wait3A_451 = tpu.memref_squeeze %dma_wait3A_450 : memref<1x128x128xf32, #tpu.memory_space<vmem>> -> memref<128x128xf32, #tpu.memory_space<vmem>>
        %dma_wait3A_452 = arith.constant 0 : i32
        %dma_wait3A_453 = tpu.memref_slice %arg6[%add3A_357, %dma_wait3A_452] : memref<80x128xi32, #tpu.memory_space<vmem>> -> memref<1x128xi32, #tpu.memory_space<vmem>>
        %dma_wait3A_454 = tpu.memref_squeeze %dma_wait3A_453 : memref<1x128xi32, #tpu.memory_space<vmem>> -> memref<128xi32, #tpu.memory_space<vmem>>
        %dma_wait3A_455 = arith.constant 0 : i32
        %dma_wait3A_456 = arith.constant 0 : i32
        %dma_wait3A_457 = tpu.memref_slice %arg8[%dma_wait3A_455, %dma_wait3A_456] : memref<10112x128xf32, #tpu.memory_space<vmem_shared>> -> memref<10112x128xf32, #tpu.memory_space<vmem_shared>>
        %dma_wait3A_458 = tpu.memref_slice %arg10[%cond3A_398] : memref<2x!tpu.dma_semaphore, #tpu.memory_space<semaphore_mem>> -> memref<1x!tpu.dma_semaphore, #tpu.memory_space<semaphore_mem>>
        %dma_wait3A_459 = tpu.memref_squeeze %dma_wait3A_458 : memref<1x!tpu.dma_semaphore, #tpu.memory_space<semaphore_mem>> -> memref<!tpu.dma_semaphore, #tpu.memory_space<semaphore_mem>>
        tpu.wait_indirect_dma semaphore(%dma_wait3A_459 : memref<!tpu.dma_semaphore, #tpu.memory_space<semaphore_mem>>) src(%dma_wait3A_451 : memref<128x128xf32, #tpu.memory_space<vmem>>) dst(%dma_wait3A_457 : memref<10112x128xf32, #tpu.memory_space<vmem_shared>>)
        %add3A_460 = arith.addi %select_n3A_13, %add3A_357 : i32
        %add3A_461 = arith.constant 2 : i32
        %add3A_462 = arith.addi %add3A_460, %add3A_461 : i32
        %dma_start3A_463 = arith.constant 0 : i32
        %dma_start3A_464 = arith.constant 0 : i32
        %dma_start3A_465 = arith.constant 0 : i32
        %dma_start3A_466 = arith.constant 0 : i32
        %dma_start3A_467 = tpu.memref_slice %arg7[%dma_start3A_463, %dma_start3A_465, %dma_start3A_466] : memref<2x128x128xf32, #tpu.memory_space<vmem>> -> memref<1x128x128xf32, #tpu.memory_space<vmem>>
        %dma_start3A_468 = tpu.memref_squeeze %dma_start3A_467 : memref<1x128x128xf32, #tpu.memory_space<vmem>> -> memref<128x128xf32, #tpu.memory_space<vmem>>
        %dma_start3A_469 = arith.constant 0 : i32
        %dma_start3A_470 = arith.constant 0 : i32
        %dma_start3A_471 = tpu.memref_slice %arg2[%add3A_462, %dma_start3A_469, %dma_start3A_470] : memref<2500x128x128xf32, #tpu.memory_space<hbm>> -> memref<1x128x128xf32, #tpu.memory_space<hbm>>
        %dma_start3A_472 = tpu.memref_squeeze %dma_start3A_471 : memref<1x128x128xf32, #tpu.memory_space<hbm>> -> memref<128x128xf32, #tpu.memory_space<hbm>>
        %dma_start3A_473 = tpu.memref_slice %arg9[%dma_start3A_464] : memref<2x!tpu.dma_semaphore, #tpu.memory_space<semaphore_mem>> -> memref<1x!tpu.dma_semaphore, #tpu.memory_space<semaphore_mem>>
        %dma_start3A_474 = tpu.memref_squeeze %dma_start3A_473 : memref<1x!tpu.dma_semaphore, #tpu.memory_space<semaphore_mem>> -> memref<!tpu.dma_semaphore, #tpu.memory_space<semaphore_mem>>
        %dma_start3A_475 = arith.constant 0 : i32
        %dma_start3A_476 = arith.constant 0 : i32
        %dma_start3A_477 = tpu.memref_slice %arg7[%dma_start3A_463, %dma_start3A_475, %dma_start3A_476] : memref<2x128x128xf32, #tpu.memory_space<vmem>> -> memref<1x128x128xf32, #tpu.memory_space<vmem>>
        %dma_start3A_478 = tpu.memref_squeeze %dma_start3A_477 : memref<1x128x128xf32, #tpu.memory_space<vmem>> -> memref<128x128xf32, #tpu.memory_space<vmem>>
        %dma_start3A_479 = arith.constant 0 : i32
        %dma_start3A_480 = arith.constant 0 : i32
        %dma_start3A_481 = tpu.memref_slice %arg2[%add3A_462, %dma_start3A_479, %dma_start3A_480] : memref<2500x128x128xf32, #tpu.memory_space<hbm>> -> memref<1x128x128xf32, #tpu.memory_space<hbm>>
        %dma_start3A_482 = tpu.memref_squeeze %dma_start3A_481 : memref<1x128x128xf32, #tpu.memory_space<hbm>> -> memref<128x128xf32, #tpu.memory_space<hbm>>
        tpu.enqueue_dma source(%dma_start3A_482 : memref<128x128xf32, #tpu.memory_space<hbm>>) target(%dma_start3A_478 : memref<128x128xf32, #tpu.memory_space<vmem>>) target_semaphore(%dma_start3A_474 : memref<!tpu.dma_semaphore, #tpu.memory_space<semaphore_mem>>)
      } else {
      }
      %mul3A_401 = arith.constant 2 : i32
      %mul3A_402 = arith.muli %while3A_353, %mul3A_401 : i32
      %add3A_403 = arith.constant 1 : i32
      %add3A_404 = arith.addi %mul3A_402, %add3A_403 : i32
      %add3A_405 = arith.addi %select_n3A_13, %add3A_404 : i32
      %dma_wait3A_406 = arith.constant 1 : i32
      %dma_wait3A_407 = arith.constant 1 : i32
      %dma_wait3A_408 = arith.constant 0 : i32
      %dma_wait3A_409 = arith.constant 0 : i32
      %dma_wait3A_410 = tpu.memref_slice %arg7[%dma_wait3A_406, %dma_wait3A_408, %dma_wait3A_409] : memref<2x128x128xf32, #tpu.memory_space<vmem>> -> memref<1x128x128xf32, #tpu.memory_space<vmem>>
      %dma_wait3A_411 = tpu.memref_squeeze %dma_wait3A_410 : memref<1x128x128xf32, #tpu.memory_space<vmem>> -> memref<128x128xf32, #tpu.memory_space<vmem>>
      %dma_wait3A_412 = arith.constant 0 : i32
      %dma_wait3A_413 = arith.constant 0 : i32
      %dma_wait3A_414 = tpu.memref_slice %arg2[%add3A_405, %dma_wait3A_412, %dma_wait3A_413] : memref<2500x128x128xf32, #tpu.memory_space<hbm>> -> memref<1x128x128xf32, #tpu.memory_space<hbm>>
      %dma_wait3A_415 = tpu.memref_squeeze %dma_wait3A_414 : memref<1x128x128xf32, #tpu.memory_space<hbm>> -> memref<128x128xf32, #tpu.memory_space<hbm>>
      %dma_wait3A_416 = tpu.memref_slice %arg9[%dma_wait3A_407] : memref<2x!tpu.dma_semaphore, #tpu.memory_space<semaphore_mem>> -> memref<1x!tpu.dma_semaphore, #tpu.memory_space<semaphore_mem>>
      %dma_wait3A_417 = tpu.memref_squeeze %dma_wait3A_416 : memref<1x!tpu.dma_semaphore, #tpu.memory_space<semaphore_mem>> -> memref<!tpu.dma_semaphore, #tpu.memory_space<semaphore_mem>>
      %dma_wait3A_418 = arith.constant 0 : i32
      %dma_wait3A_419 = arith.constant 0 : i32
      %dma_wait3A_420 = tpu.memref_slice %arg7[%dma_wait3A_406, %dma_wait3A_418, %dma_wait3A_419] : memref<2x128x128xf32, #tpu.memory_space<vmem>> -> memref<1x128x128xf32, #tpu.memory_space<vmem>>
      %dma_wait3A_421 = tpu.memref_squeeze %dma_wait3A_420 : memref<1x128x128xf32, #tpu.memory_space<vmem>> -> memref<128x128xf32, #tpu.memory_space<vmem>>
      %dma_wait3A_422 = arith.constant 0 : i32
      %dma_wait3A_423 = arith.constant 0 : i32
      %dma_wait3A_424 = tpu.memref_slice %arg2[%add3A_405, %dma_wait3A_422, %dma_wait3A_423] : memref<2500x128x128xf32, #tpu.memory_space<hbm>> -> memref<1x128x128xf32, #tpu.memory_space<hbm>>
      %dma_wait3A_425 = tpu.memref_squeeze %dma_wait3A_424 : memref<1x128x128xf32, #tpu.memory_space<hbm>> -> memref<128x128xf32, #tpu.memory_space<hbm>>
      tpu.wait_dma2 semaphore(%dma_wait3A_417 : memref<!tpu.dma_semaphore, #tpu.memory_space<semaphore_mem>>) src(%dma_wait3A_425 : memref<128x128xf32, #tpu.memory_space<hbm>>) dst(%dma_wait3A_421 : memref<128x128xf32, #tpu.memory_space<vmem>>)
      %dma_start3A_426 = arith.constant 1 : i32
      %dma_start3A_427 = arith.constant 1 : i32
      %dma_start3A_428 = arith.constant 0 : i32
      %dma_start3A_429 = arith.constant 0 : i32
      %dma_start3A_430 = tpu.memref_slice %arg7[%dma_start3A_426, %dma_start3A_428, %dma_start3A_429] : memref<2x128x128xf32, #tpu.memory_space<vmem>> -> memref<1x128x128xf32, #tpu.memory_space<vmem>>
      %dma_start3A_431 = tpu.memref_squeeze %dma_start3A_430 : memref<1x128x128xf32, #tpu.memory_space<vmem>> -> memref<128x128xf32, #tpu.memory_space<vmem>>
      %dma_start3A_432 = arith.constant 0 : i32
      %dma_start3A_433 = tpu.memref_slice %arg6[%add3A_404, %dma_start3A_432] : memref<80x128xi32, #tpu.memory_space<vmem>> -> memref<1x128xi32, #tpu.memory_space<vmem>>
      %dma_start3A_434 = tpu.memref_squeeze %dma_start3A_433 : memref<1x128xi32, #tpu.memory_space<vmem>> -> memref<128xi32, #tpu.memory_space<vmem>>
      %dma_start3A_435 = arith.constant 0 : i32
      %dma_start3A_436 = arith.constant 0 : i32
      %dma_start3A_437 = tpu.memref_slice %arg8[%dma_start3A_435, %dma_start3A_436] : memref<10112x128xf32, #tpu.memory_space<vmem_shared>> -> memref<10112x128xf32, #tpu.memory_space<vmem_shared>>
      %dma_start3A_438 = tpu.memref_slice %arg10[%dma_start3A_427] : memref<2x!tpu.dma_semaphore, #tpu.memory_space<semaphore_mem>> -> memref<1x!tpu.dma_semaphore, #tpu.memory_space<semaphore_mem>>
      %dma_start3A_439 = tpu.memref_squeeze %dma_start3A_438 : memref<1x!tpu.dma_semaphore, #tpu.memory_space<semaphore_mem>> -> memref<!tpu.dma_semaphore, #tpu.memory_space<semaphore_mem>>
      tpu.enqueue_indirect_dma source(%dma_start3A_431 : memref<128x128xf32, #tpu.memory_space<vmem>>) target(%dma_start3A_437 : memref<10112x128xf32, #tpu.memory_space<vmem_shared>>) offsets(%dma_start3A_434 : memref<128xi32, #tpu.memory_space<vmem>>) semaphore(%dma_start3A_439 : memref<!tpu.dma_semaphore, #tpu.memory_space<semaphore_mem>>) {add = true}
      %sub3A_440 = arith.constant 1 : i32
      %sub3A_441 = arith.subi %select_n3A_306, %sub3A_440 : i32
      %lt3A_442 = arith.cmpi slt, %while3A_353, %sub3A_441 : i32
      %convert_element_type3A_443 = arith.extui %lt3A_442 : i1 to i32
      %cond3A_444 = arith.constant 1 : i32
      %cond3A_445 = arith.constant 1 : i32
      %cond3A_446 = arith.constant 0 : i32
      %cond3A_447 = arith.cmpi ne, %convert_element_type3A_443, %cond3A_446 : i32
      scf.if %cond3A_447 {
        %dma_wait3A_448 = arith.constant 0 : i32
        %dma_wait3A_449 = arith.constant 0 : i32
        %dma_wait3A_450 = tpu.memref_slice %arg7[%cond3A_444, %dma_wait3A_448, %dma_wait3A_449] : memref<2x128x128xf32, #tpu.memory_space<vmem>> -> memref<1x128x128xf32, #tpu.memory_space<vmem>>
        %dma_wait3A_451 = tpu.memref_squeeze %dma_wait3A_450 : memref<1x128x128xf32, #tpu.memory_space<vmem>> -> memref<128x128xf32, #tpu.memory_space<vmem>>
        %dma_wait3A_452 = arith.constant 0 : i32
        %dma_wait3A_453 = tpu.memref_slice %arg6[%add3A_404, %dma_wait3A_452] : memref<80x128xi32, #tpu.memory_space<vmem>> -> memref<1x128xi32, #tpu.memory_space<vmem>>
        %dma_wait3A_454 = tpu.memref_squeeze %dma_wait3A_453 : memref<1x128xi32, #tpu.memory_space<vmem>> -> memref<128xi32, #tpu.memory_space<vmem>>
        %dma_wait3A_455 = arith.constant 0 : i32
        %dma_wait3A_456 = arith.constant 0 : i32
        %dma_wait3A_457 = tpu.memref_slice %arg8[%dma_wait3A_455, %dma_wait3A_456] : memref<10112x128xf32, #tpu.memory_space<vmem_shared>> -> memref<10112x128xf32, #tpu.memory_space<vmem_shared>>
        %dma_wait3A_458 = tpu.memref_slice %arg10[%cond3A_445] : memref<2x!tpu.dma_semaphore, #tpu.memory_space<semaphore_mem>> -> memref<1x!tpu.dma_semaphore, #tpu.memory_space<semaphore_mem>>
        %dma_wait3A_459 = tpu.memref_squeeze %dma_wait3A_458 : memref<1x!tpu.dma_semaphore, #tpu.memory_space<semaphore_mem>> -> memref<!tpu.dma_semaphore, #tpu.memory_space<semaphore_mem>>
        tpu.wait_indirect_dma semaphore(%dma_wait3A_459 : memref<!tpu.dma_semaphore, #tpu.memory_space<semaphore_mem>>) src(%dma_wait3A_451 : memref<128x128xf32, #tpu.memory_space<vmem>>) dst(%dma_wait3A_457 : memref<10112x128xf32, #tpu.memory_space<vmem_shared>>)
        %add3A_460 = arith.addi %select_n3A_13, %add3A_404 : i32
        %add3A_461 = arith.constant 2 : i32
        %add3A_462 = arith.addi %add3A_460, %add3A_461 : i32
        %dma_start3A_463 = arith.constant 1 : i32
        %dma_start3A_464 = arith.constant 1 : i32
        %dma_start3A_465 = arith.constant 0 : i32
        %dma_start3A_466 = arith.constant 0 : i32
        %dma_start3A_467 = tpu.memref_slice %arg7[%dma_start3A_463, %dma_start3A_465, %dma_start3A_466] : memref<2x128x128xf32, #tpu.memory_space<vmem>> -> memref<1x128x128xf32, #tpu.memory_space<vmem>>
        %dma_start3A_468 = tpu.memref_squeeze %dma_start3A_467 : memref<1x128x128xf32, #tpu.memory_space<vmem>> -> memref<128x128xf32, #tpu.memory_space<vmem>>
        %dma_start3A_469 = arith.constant 0 : i32
        %dma_start3A_470 = arith.constant 0 : i32
        %dma_start3A_471 = tpu.memref_slice %arg2[%add3A_462, %dma_start3A_469, %dma_start3A_470] : memref<2500x128x128xf32, #tpu.memory_space<hbm>> -> memref<1x128x128xf32, #tpu.memory_space<hbm>>
        %dma_start3A_472 = tpu.memref_squeeze %dma_start3A_471 : memref<1x128x128xf32, #tpu.memory_space<hbm>> -> memref<128x128xf32, #tpu.memory_space<hbm>>
        %dma_start3A_473 = tpu.memref_slice %arg9[%dma_start3A_464] : memref<2x!tpu.dma_semaphore, #tpu.memory_space<semaphore_mem>> -> memref<1x!tpu.dma_semaphore, #tpu.memory_space<semaphore_mem>>
        %dma_start3A_474 = tpu.memref_squeeze %dma_start3A_473 : memref<1x!tpu.dma_semaphore, #tpu.memory_space<semaphore_mem>> -> memref<!tpu.dma_semaphore, #tpu.memory_space<semaphore_mem>>
        %dma_start3A_475 = arith.constant 0 : i32
        %dma_start3A_476 = arith.constant 0 : i32
        %dma_start3A_477 = tpu.memref_slice %arg7[%dma_start3A_463, %dma_start3A_475, %dma_start3A_476] : memref<2x128x128xf32, #tpu.memory_space<vmem>> -> memref<1x128x128xf32, #tpu.memory_space<vmem>>
        %dma_start3A_478 = tpu.memref_squeeze %dma_start3A_477 : memref<1x128x128xf32, #tpu.memory_space<vmem>> -> memref<128x128xf32, #tpu.memory_space<vmem>>
        %dma_start3A_479 = arith.constant 0 : i32
        %dma_start3A_480 = arith.constant 0 : i32
        %dma_start3A_481 = tpu.memref_slice %arg2[%add3A_462, %dma_start3A_479, %dma_start3A_480] : memref<2500x128x128xf32, #tpu.memory_space<hbm>> -> memref<1x128x128xf32, #tpu.memory_space<hbm>>
        %dma_start3A_482 = tpu.memref_squeeze %dma_start3A_481 : memref<1x128x128xf32, #tpu.memory_space<hbm>> -> memref<128x128xf32, #tpu.memory_space<hbm>>
        tpu.enqueue_dma source(%dma_start3A_482 : memref<128x128xf32, #tpu.memory_space<hbm>>) target(%dma_start3A_478 : memref<128x128xf32, #tpu.memory_space<vmem>>) target_semaphore(%dma_start3A_474 : memref<!tpu.dma_semaphore, #tpu.memory_space<semaphore_mem>>)
      } else {
      }
    }
    %while3A_315 = arith.constant 1 : i32
    scf.for %while3A_353 = %while3A_313 to %while3A_309 step %while3A_315  : i32 {
      %mul3A_354 = arith.constant 2 : i32
      %mul3A_355 = arith.muli %while3A_353, %mul3A_354 : i32
      %add3A_356 = arith.constant 0 : i32
      %add3A_357 = arith.addi %mul3A_355, %add3A_356 : i32
      %add3A_358 = arith.addi %select_n3A_13, %add3A_357 : i32
      %dma_wait3A_359 = arith.constant 0 : i32
      %dma_wait3A_360 = arith.constant 0 : i32
      %dma_wait3A_361 = arith.constant 0 : i32
      %dma_wait3A_362 = arith.constant 0 : i32
      %dma_wait3A_363 = tpu.memref_slice %arg7[%dma_wait3A_359, %dma_wait3A_361, %dma_wait3A_362] : memref<2x128x128xf32, #tpu.memory_space<vmem>> -> memref<1x128x128xf32, #tpu.memory_space<vmem>>
      %dma_wait3A_364 = tpu.memref_squeeze %dma_wait3A_363 : memref<1x128x128xf32, #tpu.memory_space<vmem>> -> memref<128x128xf32, #tpu.memory_space<vmem>>
      %dma_wait3A_365 = arith.constant 0 : i32
      %dma_wait3A_366 = arith.constant 0 : i32
      %dma_wait3A_367 = tpu.memref_slice %arg2[%add3A_358, %dma_wait3A_365, %dma_wait3A_366] : memref<2500x128x128xf32, #tpu.memory_space<hbm>> -> memref<1x128x128xf32, #tpu.memory_space<hbm>>
      %dma_wait3A_368 = tpu.memref_squeeze %dma_wait3A_367 : memref<1x128x128xf32, #tpu.memory_space<hbm>> -> memref<128x128xf32, #tpu.memory_space<hbm>>
      %dma_wait3A_369 = tpu.memref_slice %arg9[%dma_wait3A_360] : memref<2x!tpu.dma_semaphore, #tpu.memory_space<semaphore_mem>> -> memref<1x!tpu.dma_semaphore, #tpu.memory_space<semaphore_mem>>
      %dma_wait3A_370 = tpu.memref_squeeze %dma_wait3A_369 : memref<1x!tpu.dma_semaphore, #tpu.memory_space<semaphore_mem>> -> memref<!tpu.dma_semaphore, #tpu.memory_space<semaphore_mem>>
      %dma_wait3A_371 = arith.constant 0 : i32
      %dma_wait3A_372 = arith.constant 0 : i32
      %dma_wait3A_373 = tpu.memref_slice %arg7[%dma_wait3A_359, %dma_wait3A_371, %dma_wait3A_372] : memref<2x128x128xf32, #tpu.memory_space<vmem>> -> memref<1x128x128xf32, #tpu.memory_space<vmem>>
      %dma_wait3A_374 = tpu.memref_squeeze %dma_wait3A_373 : memref<1x128x128xf32, #tpu.memory_space<vmem>> -> memref<128x128xf32, #tpu.memory_space<vmem>>
      %dma_wait3A_375 = arith.constant 0 : i32
      %dma_wait3A_376 = arith.constant 0 : i32
      %dma_wait3A_377 = tpu.memref_slice %arg2[%add3A_358, %dma_wait3A_375, %dma_wait3A_376] : memref<2500x128x128xf32, #tpu.memory_space<hbm>> -> memref<1x128x128xf32, #tpu.memory_space<hbm>>
      %dma_wait3A_378 = tpu.memref_squeeze %dma_wait3A_377 : memref<1x128x128xf32, #tpu.memory_space<hbm>> -> memref<128x128xf32, #tpu.memory_space<hbm>>
      tpu.wait_dma2 semaphore(%dma_wait3A_370 : memref<!tpu.dma_semaphore, #tpu.memory_space<semaphore_mem>>) src(%dma_wait3A_378 : memref<128x128xf32, #tpu.memory_space<hbm>>) dst(%dma_wait3A_374 : memref<128x128xf32, #tpu.memory_space<vmem>>)
      %dma_start3A_379 = arith.constant 0 : i32
      %dma_start3A_380 = arith.constant 0 : i32
      %dma_start3A_381 = arith.constant 0 : i32
      %dma_start3A_382 = arith.constant 0 : i32
      %dma_start3A_383 = tpu.memref_slice %arg7[%dma_start3A_379, %dma_start3A_381, %dma_start3A_382] : memref<2x128x128xf32, #tpu.memory_space<vmem>> -> memref<1x128x128xf32, #tpu.memory_space<vmem>>
      %dma_start3A_384 = tpu.memref_squeeze %dma_start3A_383 : memref<1x128x128xf32, #tpu.memory_space<vmem>> -> memref<128x128xf32, #tpu.memory_space<vmem>>
      %dma_start3A_385 = arith.constant 0 : i32
      %dma_start3A_386 = tpu.memref_slice %arg6[%add3A_357, %dma_start3A_385] : memref<80x128xi32, #tpu.memory_space<vmem>> -> memref<1x128xi32, #tpu.memory_space<vmem>>
      %dma_start3A_387 = tpu.memref_squeeze %dma_start3A_386 : memref<1x128xi32, #tpu.memory_space<vmem>> -> memref<128xi32, #tpu.memory_space<vmem>>
      %dma_start3A_388 = arith.constant 0 : i32
      %dma_start3A_389 = arith.constant 0 : i32
      %dma_start3A_390 = tpu.memref_slice %arg8[%dma_start3A_388, %dma_start3A_389] : memref<10112x128xf32, #tpu.memory_space<vmem_shared>> -> memref<10112x128xf32, #tpu.memory_space<vmem_shared>>
      %dma_start3A_391 = tpu.memref_slice %arg10[%dma_start3A_380] : memref<2x!tpu.dma_semaphore, #tpu.memory_space<semaphore_mem>> -> memref<1x!tpu.dma_semaphore, #tpu.memory_space<semaphore_mem>>
      %dma_start3A_392 = tpu.memref_squeeze %dma_start3A_391 : memref<1x!tpu.dma_semaphore, #tpu.memory_space<semaphore_mem>> -> memref<!tpu.dma_semaphore, #tpu.memory_space<semaphore_mem>>
      tpu.enqueue_indirect_dma source(%dma_start3A_384 : memref<128x128xf32, #tpu.memory_space<vmem>>) target(%dma_start3A_390 : memref<10112x128xf32, #tpu.memory_space<vmem_shared>>) offsets(%dma_start3A_387 : memref<128xi32, #tpu.memory_space<vmem>>) semaphore(%dma_start3A_392 : memref<!tpu.dma_semaphore, #tpu.memory_space<semaphore_mem>>) {add = true}
      %sub3A_393 = arith.constant 1 : i32
      %sub3A_394 = arith.subi %select_n3A_306, %sub3A_393 : i32
      %lt3A_395 = arith.cmpi slt, %while3A_353, %sub3A_394 : i32
      %convert_element_type3A_396 = arith.extui %lt3A_395 : i1 to i32
      %cond3A_397 = arith.constant 0 : i32
      %cond3A_398 = arith.constant 0 : i32
      %cond3A_399 = arith.constant 0 : i32
      %cond3A_400 = arith.cmpi ne, %convert_element_type3A_396, %cond3A_399 : i32
      scf.if %cond3A_400 {
        %dma_wait3A_448 = arith.constant 0 : i32
        %dma_wait3A_449 = arith.constant 0 : i32
        %dma_wait3A_450 = tpu.memref_slice %arg7[%cond3A_397, %dma_wait3A_448, %dma_wait3A_449] : memref<2x128x128xf32, #tpu.memory_space<vmem>> -> memref<1x128x128xf32, #tpu.memory_space<vmem>>
        %dma_wait3A_451 = tpu.memref_squeeze %dma_wait3A_450 : memref<1x128x128xf32, #tpu.memory_space<vmem>> -> memref<128x128xf32, #tpu.memory_space<vmem>>
        %dma_wait3A_452 = arith.constant 0 : i32
        %dma_wait3A_453 = tpu.memref_slice %arg6[%add3A_357, %dma_wait3A_452] : memref<80x128xi32, #tpu.memory_space<vmem>> -> memref<1x128xi32, #tpu.memory_space<vmem>>
        %dma_wait3A_454 = tpu.memref_squeeze %dma_wait3A_453 : memref<1x128xi32, #tpu.memory_space<vmem>> -> memref<128xi32, #tpu.memory_space<vmem>>
        %dma_wait3A_455 = arith.constant 0 : i32
        %dma_wait3A_456 = arith.constant 0 : i32
        %dma_wait3A_457 = tpu.memref_slice %arg8[%dma_wait3A_455, %dma_wait3A_456] : memref<10112x128xf32, #tpu.memory_space<vmem_shared>> -> memref<10112x128xf32, #tpu.memory_space<vmem_shared>>
        %dma_wait3A_458 = tpu.memref_slice %arg10[%cond3A_398] : memref<2x!tpu.dma_semaphore, #tpu.memory_space<semaphore_mem>> -> memref<1x!tpu.dma_semaphore, #tpu.memory_space<semaphore_mem>>
        %dma_wait3A_459 = tpu.memref_squeeze %dma_wait3A_458 : memref<1x!tpu.dma_semaphore, #tpu.memory_space<semaphore_mem>> -> memref<!tpu.dma_semaphore, #tpu.memory_space<semaphore_mem>>
        tpu.wait_indirect_dma semaphore(%dma_wait3A_459 : memref<!tpu.dma_semaphore, #tpu.memory_space<semaphore_mem>>) src(%dma_wait3A_451 : memref<128x128xf32, #tpu.memory_space<vmem>>) dst(%dma_wait3A_457 : memref<10112x128xf32, #tpu.memory_space<vmem_shared>>)
        %add3A_460 = arith.addi %select_n3A_13, %add3A_357 : i32
        %add3A_461 = arith.constant 2 : i32
        %add3A_462 = arith.addi %add3A_460, %add3A_461 : i32
        %dma_start3A_463 = arith.constant 0 : i32
        %dma_start3A_464 = arith.constant 0 : i32
        %dma_start3A_465 = arith.constant 0 : i32
        %dma_start3A_466 = arith.constant 0 : i32
        %dma_start3A_467 = tpu.memref_slice %arg7[%dma_start3A_463, %dma_start3A_465, %dma_start3A_466] : memref<2x128x128xf32, #tpu.memory_space<vmem>> -> memref<1x128x128xf32, #tpu.memory_space<vmem>>
        %dma_start3A_468 = tpu.memref_squeeze %dma_start3A_467 : memref<1x128x128xf32, #tpu.memory_space<vmem>> -> memref<128x128xf32, #tpu.memory_space<vmem>>
        %dma_start3A_469 = arith.constant 0 : i32
        %dma_start3A_470 = arith.constant 0 : i32
        %dma_start3A_471 = tpu.memref_slice %arg2[%add3A_462, %dma_start3A_469, %dma_start3A_470] : memref<2500x128x128xf32, #tpu.memory_space<hbm>> -> memref<1x128x128xf32, #tpu.memory_space<hbm>>
        %dma_start3A_472 = tpu.memref_squeeze %dma_start3A_471 : memref<1x128x128xf32, #tpu.memory_space<hbm>> -> memref<128x128xf32, #tpu.memory_space<hbm>>
        %dma_start3A_473 = tpu.memref_slice %arg9[%dma_start3A_464] : memref<2x!tpu.dma_semaphore, #tpu.memory_space<semaphore_mem>> -> memref<1x!tpu.dma_semaphore, #tpu.memory_space<semaphore_mem>>
        %dma_start3A_474 = tpu.memref_squeeze %dma_start3A_473 : memref<1x!tpu.dma_semaphore, #tpu.memory_space<semaphore_mem>> -> memref<!tpu.dma_semaphore, #tpu.memory_space<semaphore_mem>>
        %dma_start3A_475 = arith.constant 0 : i32
        %dma_start3A_476 = arith.constant 0 : i32
        %dma_start3A_477 = tpu.memref_slice %arg7[%dma_start3A_463, %dma_start3A_475, %dma_start3A_476] : memref<2x128x128xf32, #tpu.memory_space<vmem>> -> memref<1x128x128xf32, #tpu.memory_space<vmem>>
        %dma_start3A_478 = tpu.memref_squeeze %dma_start3A_477 : memref<1x128x128xf32, #tpu.memory_space<vmem>> -> memref<128x128xf32, #tpu.memory_space<vmem>>
        %dma_start3A_479 = arith.constant 0 : i32
        %dma_start3A_480 = arith.constant 0 : i32
        %dma_start3A_481 = tpu.memref_slice %arg2[%add3A_462, %dma_start3A_479, %dma_start3A_480] : memref<2500x128x128xf32, #tpu.memory_space<hbm>> -> memref<1x128x128xf32, #tpu.memory_space<hbm>>
        %dma_start3A_482 = tpu.memref_squeeze %dma_start3A_481 : memref<1x128x128xf32, #tpu.memory_space<hbm>> -> memref<128x128xf32, #tpu.memory_space<hbm>>
        tpu.enqueue_dma source(%dma_start3A_482 : memref<128x128xf32, #tpu.memory_space<hbm>>) target(%dma_start3A_478 : memref<128x128xf32, #tpu.memory_space<vmem>>) target_semaphore(%dma_start3A_474 : memref<!tpu.dma_semaphore, #tpu.memory_space<semaphore_mem>>)
      } else {
      }
      %mul3A_401 = arith.constant 2 : i32
      %mul3A_402 = arith.muli %while3A_353, %mul3A_401 : i32
      %add3A_403 = arith.constant 1 : i32
      %add3A_404 = arith.addi %mul3A_402, %add3A_403 : i32
      %add3A_405 = arith.addi %select_n3A_13, %add3A_404 : i32
      %dma_wait3A_406 = arith.constant 1 : i32
      %dma_wait3A_407 = arith.constant 1 : i32
      %dma_wait3A_408 = arith.constant 0 : i32
      %dma_wait3A_409 = arith.constant 0 : i32
      %dma_wait3A_410 = tpu.memref_slice %arg7[%dma_wait3A_406, %dma_wait3A_408, %dma_wait3A_409] : memref<2x128x128xf32, #tpu.memory_space<vmem>> -> memref<1x128x128xf32, #tpu.memory_space<vmem>>
      %dma_wait3A_411 = tpu.memref_squeeze %dma_wait3A_410 : memref<1x128x128xf32, #tpu.memory_space<vmem>> -> memref<128x128xf32, #tpu.memory_space<vmem>>
      %dma_wait3A_412 = arith.constant 0 : i32
      %dma_wait3A_413 = arith.constant 0 : i32
      %dma_wait3A_414 = tpu.memref_slice %arg2[%add3A_405, %dma_wait3A_412, %dma_wait3A_413] : memref<2500x128x128xf32, #tpu.memory_space<hbm>> -> memref<1x128x128xf32, #tpu.memory_space<hbm>>
      %dma_wait3A_415 = tpu.memref_squeeze %dma_wait3A_414 : memref<1x128x128xf32, #tpu.memory_space<hbm>> -> memref<128x128xf32, #tpu.memory_space<hbm>>
      %dma_wait3A_416 = tpu.memref_slice %arg9[%dma_wait3A_407] : memref<2x!tpu.dma_semaphore, #tpu.memory_space<semaphore_mem>> -> memref<1x!tpu.dma_semaphore, #tpu.memory_space<semaphore_mem>>
      %dma_wait3A_417 = tpu.memref_squeeze %dma_wait3A_416 : memref<1x!tpu.dma_semaphore, #tpu.memory_space<semaphore_mem>> -> memref<!tpu.dma_semaphore, #tpu.memory_space<semaphore_mem>>
      %dma_wait3A_418 = arith.constant 0 : i32
      %dma_wait3A_419 = arith.constant 0 : i32
      %dma_wait3A_420 = tpu.memref_slice %arg7[%dma_wait3A_406, %dma_wait3A_418, %dma_wait3A_419] : memref<2x128x128xf32, #tpu.memory_space<vmem>> -> memref<1x128x128xf32, #tpu.memory_space<vmem>>
      %dma_wait3A_421 = tpu.memref_squeeze %dma_wait3A_420 : memref<1x128x128xf32, #tpu.memory_space<vmem>> -> memref<128x128xf32, #tpu.memory_space<vmem>>
      %dma_wait3A_422 = arith.constant 0 : i32
      %dma_wait3A_423 = arith.constant 0 : i32
      %dma_wait3A_424 = tpu.memref_slice %arg2[%add3A_405, %dma_wait3A_422, %dma_wait3A_423] : memref<2500x128x128xf32, #tpu.memory_space<hbm>> -> memref<1x128x128xf32, #tpu.memory_space<hbm>>
      %dma_wait3A_425 = tpu.memref_squeeze %dma_wait3A_424 : memref<1x128x128xf32, #tpu.memory_space<hbm>> -> memref<128x128xf32, #tpu.memory_space<hbm>>
      tpu.wait_dma2 semaphore(%dma_wait3A_417 : memref<!tpu.dma_semaphore, #tpu.memory_space<semaphore_mem>>) src(%dma_wait3A_425 : memref<128x128xf32, #tpu.memory_space<hbm>>) dst(%dma_wait3A_421 : memref<128x128xf32, #tpu.memory_space<vmem>>)
      %dma_start3A_426 = arith.constant 1 : i32
      %dma_start3A_427 = arith.constant 1 : i32
      %dma_start3A_428 = arith.constant 0 : i32
      %dma_start3A_429 = arith.constant 0 : i32
      %dma_start3A_430 = tpu.memref_slice %arg7[%dma_start3A_426, %dma_start3A_428, %dma_start3A_429] : memref<2x128x128xf32, #tpu.memory_space<vmem>> -> memref<1x128x128xf32, #tpu.memory_space<vmem>>
      %dma_start3A_431 = tpu.memref_squeeze %dma_start3A_430 : memref<1x128x128xf32, #tpu.memory_space<vmem>> -> memref<128x128xf32, #tpu.memory_space<vmem>>
      %dma_start3A_432 = arith.constant 0 : i32
      %dma_start3A_433 = tpu.memref_slice %arg6[%add3A_404, %dma_start3A_432] : memref<80x128xi32, #tpu.memory_space<vmem>> -> memref<1x128xi32, #tpu.memory_space<vmem>>
      %dma_start3A_434 = tpu.memref_squeeze %dma_start3A_433 : memref<1x128xi32, #tpu.memory_space<vmem>> -> memref<128xi32, #tpu.memory_space<vmem>>
      %dma_start3A_435 = arith.constant 0 : i32
      %dma_start3A_436 = arith.constant 0 : i32
      %dma_start3A_437 = tpu.memref_slice %arg8[%dma_start3A_435, %dma_start3A_436] : memref<10112x128xf32, #tpu.memory_space<vmem_shared>> -> memref<10112x128xf32, #tpu.memory_space<vmem_shared>>
      %dma_start3A_438 = tpu.memref_slice %arg10[%dma_start3A_427] : memref<2x!tpu.dma_semaphore, #tpu.memory_space<semaphore_mem>> -> memref<1x!tpu.dma_semaphore, #tpu.memory_space<semaphore_mem>>
      %dma_start3A_439 = tpu.memref_squeeze %dma_start3A_438 : memref<1x!tpu.dma_semaphore, #tpu.memory_space<semaphore_mem>> -> memref<!tpu.dma_semaphore, #tpu.memory_space<semaphore_mem>>
      tpu.enqueue_indirect_dma source(%dma_start3A_431 : memref<128x128xf32, #tpu.memory_space<vmem>>) target(%dma_start3A_437 : memref<10112x128xf32, #tpu.memory_space<vmem_shared>>) offsets(%dma_start3A_434 : memref<128xi32, #tpu.memory_space<vmem>>) semaphore(%dma_start3A_439 : memref<!tpu.dma_semaphore, #tpu.memory_space<semaphore_mem>>) {add = true}
      %sub3A_440 = arith.constant 1 : i32
      %sub3A_441 = arith.subi %select_n3A_306, %sub3A_440 : i32
      %lt3A_442 = arith.cmpi slt, %while3A_353, %sub3A_441 : i32
      %convert_element_type3A_443 = arith.extui %lt3A_442 : i1 to i32
      %cond3A_444 = arith.constant 1 : i32
      %cond3A_445 = arith.constant 1 : i32
      %cond3A_446 = arith.constant 0 : i32
      %cond3A_447 = arith.cmpi ne, %convert_element_type3A_443, %cond3A_446 : i32
      scf.if %cond3A_447 {
        %dma_wait3A_448 = arith.constant 0 : i32
        %dma_wait3A_449 = arith.constant 0 : i32
        %dma_wait3A_450 = tpu.memref_slice %arg7[%cond3A_444, %dma_wait3A_448, %dma_wait3A_449] : memref<2x128x128xf32, #tpu.memory_space<vmem>> -> memref<1x128x128xf32, #tpu.memory_space<vmem>>
        %dma_wait3A_451 = tpu.memref_squeeze %dma_wait3A_450 : memref<1x128x128xf32, #tpu.memory_space<vmem>> -> memref<128x128xf32, #tpu.memory_space<vmem>>
        %dma_wait3A_452 = arith.constant 0 : i32
        %dma_wait3A_453 = tpu.memref_slice %arg6[%add3A_404, %dma_wait3A_452] : memref<80x128xi32, #tpu.memory_space<vmem>> -> memref<1x128xi32, #tpu.memory_space<vmem>>
        %dma_wait3A_454 = tpu.memref_squeeze %dma_wait3A_453 : memref<1x128xi32, #tpu.memory_space<vmem>> -> memref<128xi32, #tpu.memory_space<vmem>>
        %dma_wait3A_455 = arith.constant 0 : i32
        %dma_wait3A_456 = arith.constant 0 : i32
        %dma_wait3A_457 = tpu.memref_slice %arg8[%dma_wait3A_455, %dma_wait3A_456] : memref<10112x128xf32, #tpu.memory_space<vmem_shared>> -> memref<10112x128xf32, #tpu.memory_space<vmem_shared>>
        %dma_wait3A_458 = tpu.memref_slice %arg10[%cond3A_445] : memref<2x!tpu.dma_semaphore, #tpu.memory_space<semaphore_mem>> -> memref<1x!tpu.dma_semaphore, #tpu.memory_space<semaphore_mem>>
        %dma_wait3A_459 = tpu.memref_squeeze %dma_wait3A_458 : memref<1x!tpu.dma_semaphore, #tpu.memory_space<semaphore_mem>> -> memref<!tpu.dma_semaphore, #tpu.memory_space<semaphore_mem>>
        tpu.wait_indirect_dma semaphore(%dma_wait3A_459 : memref<!tpu.dma_semaphore, #tpu.memory_space<semaphore_mem>>) src(%dma_wait3A_451 : memref<128x128xf32, #tpu.memory_space<vmem>>) dst(%dma_wait3A_457 : memref<10112x128xf32, #tpu.memory_space<vmem_shared>>)
        %add3A_460 = arith.addi %select_n3A_13, %add3A_404 : i32
        %add3A_461 = arith.constant 2 : i32
        %add3A_462 = arith.addi %add3A_460, %add3A_461 : i32
        %dma_start3A_463 = arith.constant 1 : i32
        %dma_start3A_464 = arith.constant 1 : i32
        %dma_start3A_465 = arith.constant 0 : i32
        %dma_start3A_466 = arith.constant 0 : i32
        %dma_start3A_467 = tpu.memref_slice %arg7[%dma_start3A_463, %dma_start3A_465, %dma_start3A_466] : memref<2x128x128xf32, #tpu.memory_space<vmem>> -> memref<1x128x128xf32, #tpu.memory_space<vmem>>
        %dma_start3A_468 = tpu.memref_squeeze %dma_start3A_467 : memref<1x128x128xf32, #tpu.memory_space<vmem>> -> memref<128x128xf32, #tpu.memory_space<vmem>>
        %dma_start3A_469 = arith.constant 0 : i32
        %dma_start3A_470 = arith.constant 0 : i32
        %dma_start3A_471 = tpu.memref_slice %arg2[%add3A_462, %dma_start3A_469, %dma_start3A_470] : memref<2500x128x128xf32, #tpu.memory_space<hbm>> -> memref<1x128x128xf32, #tpu.memory_space<hbm>>
        %dma_start3A_472 = tpu.memref_squeeze %dma_start3A_471 : memref<1x128x128xf32, #tpu.memory_space<hbm>> -> memref<128x128xf32, #tpu.memory_space<hbm>>
        %dma_start3A_473 = tpu.memref_slice %arg9[%dma_start3A_464] : memref<2x!tpu.dma_semaphore, #tpu.memory_space<semaphore_mem>> -> memref<1x!tpu.dma_semaphore, #tpu.memory_space<semaphore_mem>>
        %dma_start3A_474 = tpu.memref_squeeze %dma_start3A_473 : memref<1x!tpu.dma_semaphore, #tpu.memory_space<semaphore_mem>> -> memref<!tpu.dma_semaphore, #tpu.memory_space<semaphore_mem>>
        %dma_start3A_475 = arith.constant 0 : i32
        %dma_start3A_476 = arith.constant 0 : i32
        %dma_start3A_477 = tpu.memref_slice %arg7[%dma_start3A_463, %dma_start3A_475, %dma_start3A_476] : memref<2x128x128xf32, #tpu.memory_space<vmem>> -> memref<1x128x128xf32, #tpu.memory_space<vmem>>
        %dma_start3A_478 = tpu.memref_squeeze %dma_start3A_477 : memref<1x128x128xf32, #tpu.memory_space<vmem>> -> memref<128x128xf32, #tpu.memory_space<vmem>>
        %dma_start3A_479 = arith.constant 0 : i32
        %dma_start3A_480 = arith.constant 0 : i32
        %dma_start3A_481 = tpu.memref_slice %arg2[%add3A_462, %dma_start3A_479, %dma_start3A_480] : memref<2500x128x128xf32, #tpu.memory_space<hbm>> -> memref<1x128x128xf32, #tpu.memory_space<hbm>>
        %dma_start3A_482 = tpu.memref_squeeze %dma_start3A_481 : memref<1x128x128xf32, #tpu.memory_space<hbm>> -> memref<128x128xf32, #tpu.memory_space<hbm>>
        tpu.enqueue_dma source(%dma_start3A_482 : memref<128x128xf32, #tpu.memory_space<hbm>>) target(%dma_start3A_478 : memref<128x128xf32, #tpu.memory_space<vmem>>) target_semaphore(%dma_start3A_474 : memref<!tpu.dma_semaphore, #tpu.memory_space<semaphore_mem>>)
      } else {
      }
    }
    %sub3A_316 = arith.constant 2 : i32
    %sub3A_317 = arith.subi %select_n3A_6, %sub3A_316 : i32
    %add3A_318 = arith.constant 0 : i32
    %add3A_319 = arith.addi %sub3A_317, %add3A_318 : i32
    %dma_wait3A_320 = arith.constant 0 : i32
    %dma_wait3A_321 = arith.constant 0 : i32
    %dma_wait3A_322 = arith.constant 0 : i32
    %dma_wait3A_323 = arith.constant 0 : i32
    %dma_wait3A_324 = tpu.memref_slice %arg7[%dma_wait3A_320, %dma_wait3A_322, %dma_wait3A_323] : memref<2x128x128xf32, #tpu.memory_space<vmem>> -> memref<1x128x128xf32, #tpu.memory_space<vmem>>
    %dma_wait3A_325 = tpu.memref_squeeze %dma_wait3A_324 : memref<1x128x128xf32, #tpu.memory_space<vmem>> -> memref<128x128xf32, #tpu.memory_space<vmem>>
    %dma_wait3A_326 = arith.constant 0 : i32
    %dma_wait3A_327 = tpu.memref_slice %arg6[%add3A_319, %dma_wait3A_326] : memref<80x128xi32, #tpu.memory_space<vmem>> -> memref<1x128xi32, #tpu.memory_space<vmem>>
    %dma_wait3A_328 = tpu.memref_squeeze %dma_wait3A_327 : memref<1x128xi32, #tpu.memory_space<vmem>> -> memref<128xi32, #tpu.memory_space<vmem>>
    %dma_wait3A_329 = arith.constant 0 : i32
    %dma_wait3A_330 = arith.constant 0 : i32
    %dma_wait3A_331 = tpu.memref_slice %arg8[%dma_wait3A_329, %dma_wait3A_330] : memref<10112x128xf32, #tpu.memory_space<vmem_shared>> -> memref<10112x128xf32, #tpu.memory_space<vmem_shared>>
    %dma_wait3A_332 = tpu.memref_slice %arg10[%dma_wait3A_321] : memref<2x!tpu.dma_semaphore, #tpu.memory_space<semaphore_mem>> -> memref<1x!tpu.dma_semaphore, #tpu.memory_space<semaphore_mem>>
    %dma_wait3A_333 = tpu.memref_squeeze %dma_wait3A_332 : memref<1x!tpu.dma_semaphore, #tpu.memory_space<semaphore_mem>> -> memref<!tpu.dma_semaphore, #tpu.memory_space<semaphore_mem>>
    tpu.wait_indirect_dma semaphore(%dma_wait3A_333 : memref<!tpu.dma_semaphore, #tpu.memory_space<semaphore_mem>>) src(%dma_wait3A_325 : memref<128x128xf32, #tpu.memory_space<vmem>>) dst(%dma_wait3A_331 : memref<10112x128xf32, #tpu.memory_space<vmem_shared>>)
    %sub3A_334 = arith.constant 2 : i32
    %sub3A_335 = arith.subi %select_n3A_6, %sub3A_334 : i32
    %add3A_336 = arith.constant 1 : i32
    %add3A_337 = arith.addi %sub3A_335, %add3A_336 : i32
    %dma_wait3A_338 = arith.constant 1 : i32
    %dma_wait3A_339 = arith.constant 1 : i32
    %dma_wait3A_340 = arith.constant 0 : i32
    %dma_wait3A_341 = arith.constant 0 : i32
    %dma_wait3A_342 = tpu.memref_slice %arg7[%dma_wait3A_338, %dma_wait3A_340, %dma_wait3A_341] : memref<2x128x128xf32, #tpu.memory_space<vmem>> -> memref<1x128x128xf32, #tpu.memory_space<vmem>>
    %dma_wait3A_343 = tpu.memref_squeeze %dma_wait3A_342 : memref<1x128x128xf32, #tpu.memory_space<vmem>> -> memref<128x128xf32, #tpu.memory_space<vmem>>
    %dma_wait3A_344 = arith.constant 0 : i32
    %dma_wait3A_345 = tpu.memref_slice %arg6[%add3A_337, %dma_wait3A_344] : memref<80x128xi32, #tpu.memory_space<vmem>> -> memref<1x128xi32, #tpu.memory_space<vmem>>
    %dma_wait3A_346 = tpu.memref_squeeze %dma_wait3A_345 : memref<1x128xi32, #tpu.memory_space<vmem>> -> memref<128xi32, #tpu.memory_space<vmem>>
    %dma_wait3A_347 = arith.constant 0 : i32
    %dma_wait3A_348 = arith.constant 0 : i32
    %dma_wait3A_349 = tpu.memref_slice %arg8[%dma_wait3A_347, %dma_wait3A_348] : memref<10112x128xf32, #tpu.memory_space<vmem_shared>> -> memref<10112x128xf32, #tpu.memory_space<vmem_shared>>
    %dma_wait3A_350 = tpu.memref_slice %arg10[%dma_wait3A_339] : memref<2x!tpu.dma_semaphore, #tpu.memory_space<semaphore_mem>> -> memref<1x!tpu.dma_semaphore, #tpu.memory_space<semaphore_mem>>
    %dma_wait3A_351 = tpu.memref_squeeze %dma_wait3A_350 : memref<1x!tpu.dma_semaphore, #tpu.memory_space<semaphore_mem>> -> memref<!tpu.dma_semaphore, #tpu.memory_space<semaphore_mem>>
    tpu.wait_indirect_dma semaphore(%dma_wait3A_351 : memref<!tpu.dma_semaphore, #tpu.memory_space<semaphore_mem>>) src(%dma_wait3A_343 : memref<128x128xf32, #tpu.memory_space<vmem>>) dst(%dma_wait3A_349 : memref<10112x128xf32, #tpu.memory_space<vmem_shared>>)
    %barrier3A_352 = arith.constant 0 : index
    tpu.barrier barrier_id(%barrier3A_352)
    "tpu.region"() ({
      %run_scoped3A = tpu.sem_alloc : memref<!tpu.dma_semaphore, #tpu.memory_space<semaphore_mem>>
      %dma_start3A_353 = arith.constant 0 : i32
      %dma_start3A_354 = tpu.memref_slice %arg5[%arg0, %mul3A_35, %dma_start3A_353] : memref<2x10112x128xf32, #tpu.memory_space<hbm>> -> memref<1x632x128xf32, #tpu.memory_space<hbm>>
      %dma_start3A_355 = tpu.memref_squeeze %dma_start3A_354 : memref<1x632x128xf32, #tpu.memory_space<hbm>> -> memref<632x128xf32, #tpu.memory_space<hbm>>
      %dma_start3A_356 = arith.constant 0 : i32
      %dma_start3A_357 = tpu.memref_slice %arg8[%mul3A_35, %dma_start3A_356] : memref<10112x128xf32, #tpu.memory_space<vmem_shared>> -> memref<632x128xf32, #tpu.memory_space<vmem_shared>>
      tpu.enqueue_dma source(%dma_start3A_357 : memref<632x128xf32, #tpu.memory_space<vmem_shared>>) target(%dma_start3A_355 : memref<632x128xf32, #tpu.memory_space<hbm>>) target_semaphore(%run_scoped3A : memref<!tpu.dma_semaphore, #tpu.memory_space<semaphore_mem>>)
      %dma_wait3A_358 = arith.constant 0 : i32
      %dma_wait3A_359 = tpu.memref_slice %arg5[%arg0, %mul3A_35, %dma_wait3A_358] : memref<2x10112x128xf32, #tpu.memory_space<hbm>> -> memref<1x632x128xf32, #tpu.memory_space<hbm>>
      %dma_wait3A_360 = tpu.memref_squeeze %dma_wait3A_359 : memref<1x632x128xf32, #tpu.memory_space<hbm>> -> memref<632x128xf32, #tpu.memory_space<hbm>>
      %dma_wait3A_361 = arith.constant 0 : i32
      %dma_wait3A_362 = tpu.memref_slice %arg8[%mul3A_35, %dma_wait3A_361] : memref<10112x128xf32, #tpu.memory_space<vmem_shared>> -> memref<632x128xf32, #tpu.memory_space<vmem_shared>>
      tpu.wait_dma2 semaphore(%run_scoped3A : memref<!tpu.dma_semaphore, #tpu.memory_space<semaphore_mem>>) src(%dma_wait3A_362 : memref<632x128xf32, #tpu.memory_space<vmem_shared>>) dst(%dma_wait3A_360 : memref<632x128xf32, #tpu.memory_space<hbm>>)
      tpu.yield
    }) : () -> ()
    return
  }
}

module attributes {stable_mosaic.version = 14 : i64} {
  func.func @_combine_body(%arg0: i32, %arg1: memref<2x2000x128xf32, #tpu.memory_space<vmem>>, %arg2: memref<2000x128xf32, #tpu.memory_space<vmem>>) attributes {dimension_semantics = [#tpu.dimension_semantics<arbitrary>], iteration_bounds = array<i64: 5>, scalar_prefetch = 0 : i64, scratch_operands = 0 : i64, tpu.core_type = #tpu.core_type<tc>, window_params = [{transform_indices = @transform_0, window_bounds = array<i64: 2, 2000, 128>}, {transform_indices = @transform_1, window_bounds = array<i64: 2000, 128>}]} {
    %get3A = arith.constant 0 : index
    %get3A_0 = arith.constant 0 : index
    %get3A_1 = arith.constant 0 : index
    %get3A_2 = vector.load %arg1[%get3A, %get3A_0, %get3A_1] : memref<2x2000x128xf32, #tpu.memory_space<vmem>>, vector<1x2000x128xf32>
    %get3A_3 = vector.shape_cast %get3A_2 : vector<1x2000x128xf32> to vector<2000x128xf32>
    %get3A_4 = arith.constant 1 : index
    %get3A_5 = arith.constant 0 : index
    %get3A_6 = arith.constant 0 : index
    %get3A_7 = vector.load %arg1[%get3A_4, %get3A_5, %get3A_6] : memref<2x2000x128xf32, #tpu.memory_space<vmem>>, vector<1x2000x128xf32>
    %get3A_8 = vector.shape_cast %get3A_7 : vector<1x2000x128xf32> to vector<2000x128xf32>
    %add3A = arith.addf %get3A_3, %get3A_8 : vector<2000x128xf32>
    %swap3A = arith.constant 0 : index
    %swap3A_9 = arith.constant 0 : index
    %swap3A_10 = vector.load %arg2[%swap3A, %swap3A_9] : memref<2000x128xf32, #tpu.memory_space<vmem>>, vector<2000x128xf32>
    tpu.vector_store %arg2[%swap3A, %swap3A_9], %add3A {strides = array<i32>} : memref<2000x128xf32, #tpu.memory_space<vmem>>, vector<2000x128xf32>,
    return
  }
  func.func @transform_0(%arg0: i32) -> (i32, i32, i32) {
    %c0_i32 = arith.constant 0 : i32
    %c0_i32_0 = arith.constant 0 : i32
    %c0_i32_1 = arith.constant 0 : i32
    return %c0_i32, %arg0, %c0_i32_0 : i32, i32, i32
  }
  func.func @transform_1(%arg0: i32) -> (i32, i32) {
    %c0_i32 = arith.constant 0 : i32
    %c0_i32_0 = arith.constant 0 : i32
    return %arg0, %c0_i32 : i32, i32
  }
}

</mosaic_0001>

<sc_bundles>
// kernel: kernel.4.cloned.1.call-start
scs
__scs_entry_jumppad:
0x0: {  	(pc) =	sbr.rel $0x88, $3  }
0x1: {  	(tag) =	ssettag $0x0;
	lr =	simm.s32 $0x1  }
0x2: {  	[smem:$0x3F9F] =	sst lr;
	_ =	strace $0xD0000000  }
0x3: {  	_ = 	snop  }
0x4: {  	_ = 	snop  }
0x5: {  	_ = 	snop  }
0x6: {  	_ = 	snop  }
0x7: {  	_ = 	snop  }
__scs_overlays_trampoline_lowered:
0x8: {  	[smem:$0x3FAE] =	sst s0  }
0x9: {  	[smem:$0x3FAF] =	sst s1  }
0xa: {  	[smem:$0x3FB0] =	sst s2  }
0xb: {  	[smem:$0x3FB1] =	sst s3  }
0xc: {  	[smem:$0x3FB2] =	sst s4  }
0xd: {  	[smem:$0x3FB3] =	sst s5  }
0xe: {  	[smem:$0x3FB4] =	sst s6  }
0xf: {  	[smem:$0x3FB5] =	sst s7  }
0x10: {  	[smem:$0x3FB6] =	sst s8  }
0x11: {  	[smem:$0x3FB7] =	sst s9;
	s0 =	simm.s32 @!p0 $0x0  }
0x12: {  	s1 =	sld [smem:$0x3F9D];
	s0 =	simm.s32 @p0 $0x1  }
0x13: {  	[smem:$0x3FB8] =	sst s0;
	s0 =	simm.s32 @!p1 $0x0  }
0x14: {  	s2 =	sld [smem:$0x3F9C];
	s0 =	simm.s32 @p1 $0x1  }
0x15: {  	[smem:$0x3FB9] =	sst s0;
	s0 =	simm.s32 @!p2 $0x0  }
0x16: {  	s3 =	sld [smem:$0x3FDB];
	s0 =	simm.s32 @p2 $0x1  }
0x17: {  	s4 =	simm.s32 $0x1BF5;
	[smem:$0x3FBB] =	sst s0  }
0x18: {  	s0 =	sld [smem:$0x3F9E];
	_ =	swait.ge [sflag:s4], $0x0  }
0x19: {  	s7 =	sld [smem:$0x3F9F]  }
0x1a: {  	s8 =	sadd.s32 $0xFFFFE003, lr  }
0x1b: {  	s9 =	sadd.s32 $0xFFFFFEF7, lr;
	s5 =	simm.s32 $0xFFFFFFFF;
	p2 =	slt.u32 s8, $0xFFFFF086  }
0x1c: {  	p1 =	slt.u32 s9, $0xF7A;
	s5 =	simm.s32 @!p2 $0x0  }
0x1d: {  	s5 =	simm.s32 @p1 $0x1;
	p0 =	seq.s32 s7, s2  }
0x1e: {  	s7 =	smul.u32 @!p0 $0xF7A, s2;
	p2 =	seq.s32 @!p0 s5, $0x0  }
0x1f: {  	s9 =	smul.u32 $0xF7A, s1;
	s8 =	simm.s32 @!p0 $0x1BF5;
	p2 =	por !p2, p0  }
0x20: {  	[sflag:s8] =	ssyncset.s32 @!p0 $0xFFFFF086;
	s6 =	sadd.s32 @!p0 s3, s7;
	s7 =	simm.s32 @!p0 $0x108  }
0x21: {  	s3 =	sadd.s32 s3, s9;
	s6 =	sadd.s32 @!p0 $0x88, s6;
	s7 =	simm.s32 @p2 $0x1082  }
0x22: {  	[simem:s7], [sflag:s8] =	dma.local @!p0 [hbm:s6], $0xF7A  }
0x23: {  	s9 =	sor.u32 $0xD0000000, s2;
	s6 =	simm.s32 $0x108;
	_ =	swait.ge @!p0 [sflag:s8], $0x0  }
0x24: {  	s3 =	sadd.s32 $0x88, s3;
	s6 =	simm.s32 @!p1 $0x1082;
	[sflag:s4] =	ssyncset.s32 $0xFFFFF086  }
0x25: {  	[simem:s6], [sflag:s4] =	dma.local [hbm:s3], $0xF7A  }
0x26: {  	[smem:$0x3F9F] =	sst s1;
	(tag) =	ssettag s2;
	_ =	strace s9  }
0x27: {  	s1 =	sld [smem:$0x3FAF]  }
0x28: {  	s2 =	sld [smem:$0x3FB0]  }
0x29: {  	s4 =	sld [smem:$0x3FB2]  }
0x2a: {  	p0 =	seq.s32 s5, $0x0;
	s5 =	sld [smem:$0x3FB3]  }
0x2b: {  	s6 =	sld [smem:$0x3FB4]  }
0x2c: {  	s7 =	sld [smem:$0x3FB5]  }
0x2d: {  	s3 =	simm.s32 $0x108;
	s8 =	sld [smem:$0x3FB6]  }
0x2e: {  	s3 =	simm.s32 @!p0 $0x1082;
	s9 =	sld [smem:$0x3FB7]  }
0x2f: {  	lr =	sadd.s32 s0, s3;
	s0 =	sld [smem:$0x3FAE]  }
0x30: {  	s3 =	sld [smem:$0x3FB1]  }
0x31: {  	[smem:$0x3FBA] =	sst s10  }
0x32: {  	s10 =	sld [smem:$0x3FB8];
	_ =	sdelay $0x3  }
0x33: {  	p0 =	seq.s32 s10, $0x1;
	s10 =	sld [smem:$0x3FBA];
	_ =	sdelay $0x3  }
0x34: {  	[smem:$0x3FBA] =	sst s10  }
0x35: {  	s10 =	sld [smem:$0x3FB9];
	_ =	sdelay $0x3  }
0x36: {  	p1 =	seq.s32 s10, $0x1;
	s10 =	sld [smem:$0x3FBA];
	_ =	sdelay $0x3  }
0x37: {  	[smem:$0x3FBA] =	sst s10  }
0x38: {  	s10 =	sld [smem:$0x3FBB]  }
0x39: {  	_ = 	snop;
	(pc) =	sbr.ind lr, $3  }
0x3a: {  	_ = 	snop  }
0x3b: {  	_ = 	snop  }
0x3c: {  	p2 =	seq.s32 s10, $0x1;
	s10 =	sld [smem:$0x3FBA]  }
0x3d: {  	_ =	shalt  }
0x3e: {  	_ =	shalt  }
0x3f: {  	_ =	shalt  }
0x40: {  	_ =	shalt  }
0x41: {  	_ =	shalt  }
0x42: {  	_ =	shalt  }
0x43: {  	_ =	shalt  }
0x44: {  	_ =	shalt  }
0x45: {  	_ =	shalt  }
0x46: {  	_ =	shalt  }
0x47: {  	_ =	shalt  }
0x48: {  	_ =	shalt  }
0x49: {  	_ =	shalt  }
0x4a: {  	_ =	shalt  }
0x4b: {  	_ =	shalt  }
0x4c: {  	_ =	shalt  }
0x4d: {  	_ =	shalt  }
0x4e: {  	_ =	shalt  }
0x4f: {  	_ =	shalt  }
0x50: {  	_ =	shalt  }
0x51: {  	_ =	shalt  }
0x52: {  	_ =	shalt  }
0x53: {  	_ =	shalt  }
0x54: {  	_ =	shalt  }
0x55: {  	_ =	shalt  }
0x56: {  	_ =	shalt  }
0x57: {  	_ =	shalt  }
0x58: {  	_ =	shalt  }
0x59: {  	_ =	shalt  }
0x5a: {  	_ =	shalt  }
0x5b: {  	_ =	shalt  }
0x5c: {  	_ =	shalt  }
0x5d: {  	_ =	shalt  }
0x5e: {  	_ =	shalt  }
0x5f: {  	_ =	shalt  }
0x60: {  	_ =	shalt  }
0x61: {  	_ =	shalt  }
0x62: {  	_ =	shalt  }
0x63: {  	_ =	shalt  }
0x64: {  	_ =	shalt  }
0x65: {  	_ =	shalt  }
0x66: {  	_ =	shalt  }
0x67: {  	_ =	shalt  }
0x68: {  	_ =	shalt  }
0x69: {  	_ =	shalt  }
0x6a: {  	_ =	shalt  }
0x6b: {  	_ =	shalt  }
0x6c: {  	_ =	shalt  }
0x6d: {  	_ =	shalt  }
0x6e: {  	_ =	shalt  }
0x6f: {  	_ =	shalt  }
0x70: {  	_ =	shalt  }
0x71: {  	_ =	shalt  }
0x72: {  	_ =	shalt  }
0x73: {  	_ =	shalt  }
0x74: {  	_ =	shalt  }
0x75: {  	_ =	shalt  }
0x76: {  	_ =	shalt  }
0x77: {  	_ =	shalt  }
0x78: {  	_ =	shalt  }
0x79: {  	_ =	shalt  }
0x7a: {  	_ =	shalt  }
0x7b: {  	_ =	shalt  }
0x7c: {  	_ =	shalt  }
0x7d: {  	_ =	shalt  }
0x7e: {  	_ =	shalt  }
0x7f: {  	_ =	shalt  }
0x80: {  	_ =	shalt  }
0x81: {  	_ =	shalt  }
0x82: {  	_ =	shalt  }
0x83: {  	_ =	shalt  }
0x84: {  	_ =	shalt  }
0x85: {  	_ =	shalt  }
0x86: {  	_ =	shalt  }
0x87: {  	_ =	shalt  }
.Lfunc_end0:
.L_simem_size_0:
called_computation_lowered:
.L_overlay_start_0:
0x88: {  	s2 =	sld [smem:$0x3FD9]  }
0x89: {  	s3 =	sld [smem:$0x3FFE];
	_ =	sdelay $0x1  }
0x8a: {  	s1 =	srdreg.scid  }
0x8b: {  	s0 =	sand.u32 $0x1, s1  }
0x8c: {  	s17 =	sshll.u32 s0, $0xA;
	s2 =	sadd.s32 s3, s2  }
0x8d: {  	s2 =	sadd.s32 s2, s17  }
0x8e: {  	[smem:$0x3FC6] =	sst s2  }
0x8f: {  	_ = 	snop  }
0x90: {  	s2 =	sld [smem:$0x3FC9]  }
0x91: {  	s18 =	sld [smem:$0x3FD0];
	(tm) =	ssettm $0x1  }
0x92: {  	s4 =	sld [smem:$0x3FFB];
	_ =	sdelay $0x3  }
0x93: {  	_ =	strace s4  }
0x94: {  	s4 =	sld [smem:$0x3FFC];
	_ =	sdelay $0x3  }
0x95: {  	_ =	strace s4  }
0x96: {  	s4 =	sld [smem:$0x3FFD];
	_ =	sdelay $0x3  }
0x97: {  	_ =	strace s4  }
0x98: {  	_ =	strace $0x8FFFFFFF  }
0x99: {  	s19 =	sld [smem:$0x3FDB];
	_ =	sdelay $0x1  }
0x9a: {  	s5 =	simm.s32 $_scs_section_size  }
0x9b: {  	s6 =	simm.s32 $_size__tile_overlayer_lowered;
	s7 =	simm.s32 $_tile_overlayer_lowered  }
0x9c: {  	s22 =	simm.s32 $0x1BFF;
	s21 =	sshll.u32 s7, $0x1;
	s4 =	sadd.s32 s5, s19  }
0x9d: {  	s8 =	simm.s32 $0x0;
	s20 =	sshll.u32 s6, $0x1;
	s6 =	sadd.s32 s21, s4  }
0x9e: {  	[timem:s8], [sflag:s22] =	dma.local [hbm:s6], s20  }
0x9f: {  	_ =	swait.ge [sflag:s22], s20  }
0xa0: {  	s5 =	ssub.s32 $0x0, s20;
	[sflag:s22] =	ssyncset.done $0x0  }
0xa1: {  	[sflag:s22] =	ssyncadd.s32 s5;
	_ =	sdelay $0x1  }
0xa2: {  	s23 =	simm.s32 $0x1B8B  }
0xa3: {  	_ =	swait.ge [sflag:s23], $0x1  }
0xa4: {  	[sflag:s23] =	ssyncset.done $0x0  }
0xa5: {  	s25 =	simm.s32 $0x1B8E;
	s24 =	sld [smem:$0x3FFE];
	[sflag:s23] =	ssyncadd.s32 $0xFFFFFFFF  }
0xa6: {  	s26 =	simm.s32 $execute0_lowered;
	[smem:$0x3FD2] =	sst s25  }
0xa7: {  	s6 =	sshll.u32 s26, $0x1;
	_ =	strace $0x80000046;
	[dreg:$0x1] =	wrdreg $0xFFFFFFFF  }
0xa8: {  	s28 =	simm.s32 $_size_execute0_lowered;
	s4 =	sadd.s32 s4, s6;
	[dreg:$0x0] =	wrdreg $0x0  }
0xa9: {  	s6 =	sshll.u32 s28, $0x1;
	[dreg:$0x2] =	wrdreg s4  }
0xaa: {  	[dreg:$0x3] =	wrdreg s6  }
0xab: {  	[dreg:$0x4] =	wrdreg $0xC0  }
0xac: {  	_ =	task [dreg:s8], $0x5FFFF  }
0xad: {  	[dreg:$0x1] =	wrdreg $0xFFFFFFFF  }
0xae: {  	[dreg:$0x0] =	wrdreg $0x60  }
0xaf: {  	[dreg:$0x2] =	wrdreg s2  }
0xb0: {  	[dreg:$0x3] =	wrdreg s18  }
0xb1: {  	[dreg:$0x4] =	wrdreg s24  }
0xb2: {  	[dreg:$0x5] =	wrdreg $0xA8000  }
0xb3: {  	[dreg:$0x6] =	wrdreg $0x9  }
0xb4: {  	_ =	task.clear_ibuf [dreg:s8], $0x7FFFF;
	_ =	strace $0x90000046  }
0xb5: {  	s29 =	simm.s32 $0x9;
	_ =	strace $0x80000048  }
0xb6: {  	_ =	swait.ge [sflag:s29], $0x1  }
0xb7: {  	[sflag:s29] =	ssyncadd.s32 $0xFFFFFFFF  }
0xb8: {  	_ =	strace $0x90000048  }
0xb9: {  	_ =	sfence  }
0xba: {  	s30 =	sld [smem:$0x0];
	_ =	sdelay $0x2  }
0xbb: {  	s31 =	sshll.u32 s1, $0xD;
	s1 =	sshrl.u32 s1, $0x2  }
0xbc: {  	s3 =	sand.u32 $0x4000, s31;
	s1 =	sadd.s32 s1, s30  }
0xbd: {  	s0 =	sor.u32 s3, s0;
	s1 =	sshll.u32 s1, $0x11  }
0xbe: {  	s0 =	sor.u32 s1, s0  }
0xbf: {  	s0 =	sadd.s32 $0x8F2B, s0  }
0xc0: {  	[sflag:s0] =	ssyncadd.remote.s32 $0x1  }
0xc1: {  	_ =	sfence.sel $0xFFFF  }
0xc2: {  	[dreg:$0x0] =	wrdreg $0xFFFFFFFF;
	(pc) =	sbr.abs _section_cstart, $3  }
0xc3: {  	[dreg:$0x1] =	wrdreg $0xFFFFFFFF  }
0xc4: {  	_ =	task.clear_ibuf [dreg:s8], $0x2FFFF;
	_ =	strace $0x9FFFFFFF  }
0xc5: {  	(tm) =	ssettm $0x7FFFFFFF  }
tec
execute0_lowered:
.L_overlay_start_1:
0x0: {  	(tag) =	ssettag $0x1  }
0x1: {  	s1 =	rddreg [dreg:$0x0]  }
0x2: {  	s0 =	rddreg [dreg:$0x1]  }
0x3: {  	s6 =	rddreg [dreg:$0x2]  }
0x4: {  	s3 =	rddreg [dreg:$0x3]  }
0x5: {  	s2 =	srdreg.scid;
	s4 =	simm.s32 $0x0;
	s18 =	simm.s32 $0x6800  }
0x6: {  	s19 =	simm.s32 $0x4;
	s20 =	simm.s32 $0x1;
	s21 =	simm.s32 $0x80  }
0x7: {  	s22 =	simm.s32 $0x3;
	s23 =	simm.s32 $0x2;
	s7 =	sand.u32 $0x1, s2  }
0x8: {  	s24 =	simm.s32 $0x5;
	s2 =	stileid.u32;
	s5 =	smul.u32 $0x13C000, s7  }
0x9: {  	s25 =	simm.s32 $0x0;
	[smem:$0x7FF] =	sst s4;
	s8 =	smul.u32 $0x13C00, s2  }
0xa: {  	s9 =	sshll.u32 s7, $0x4;
	_ =	strace $0x80000047;
	s10 =	ssub.s32 $0x2, s7  }
0xb: {  	p0 =	seq.s32 s7, $0x0;
	s26 =	smul.u32 $0x4F000, s2;
	s16 =	sor.u32 s2, s9  }
0xc: {  	s28 =	sshrl.u32 s10, $0x1;
	s8 =	sadd.s32 s8, s5;
	s9 =	smul.u32 $0x50, s16  }
0xd: {  	s5 =	sadd.s32 $0x400, s6;
	s15 =	ssub.s32 s10, s28;
	s7 =	sshrl.u32 s26, $0x2  }
0xe: {  	s8 =	sshrl.u32 s8, $0x3;
	s7 =	sadd.s32 s7, s3;
	s15 =	smax.u32 s15, $0x1  }
0xf: {  	s17 =	sadd.s32 $0xFFFFFFE0, s9;
	s14 =	sadd.s32 s8, s6;
	s8 =	sadd.s32 $0x4000, s7  }
0x10: {  	s10 =	sadd.s32 $0xC000, s7;
	s11 =	sadd.s32 $0x10000, s7;
	s17 =	smov.u32 @p0 s9  }
0x11: {  	s9 =	sadd.s32 $0x8000, s7;
	s14 =	sadd.s32 $0x800, s14;
	p0 =	seq.s32 s16, $0xF  }
0x12: {  	s29 =	sshll.u32 s17, $0x4;
	s30 =	sshll.u32 s17, $0xB;
	s31 =	sshll.u32 s17, $0xE  }
0x13: {  	p2 =	seq.s32 @!p0 s16, $0x1F;
	s6 =	sadd.s32 s0, s29;
	s0 =	sand.u32 $0x1FFF8000, s30  }
0x14: {  	s17 =	simm.s32 $0x2800;
	s16 =	sor.u32 $0xC000, s31;
	s12 =	sadd.s32 s1, s0  }
0x15: {  	v0 =	vimm.f32 $0.0e+00;
	p1 =	por !p2, p0;
	p2 =	por p2, p0;
	s13 =	sadd.s32 $0x800, s12  }
.LBB2_1:
0x16: {  	s0 =	simm.s32 @p0 $0x0  }
0x17: {  	[tilespmem:s0], [sflag:$0x3] =	stream.linear.gather @p0 [hbm4b:s6+s0], $0x1800, $0x38;
	[tilespmem:$0x1E400] =	vst v63  }
0x18: {  	s0 =	simm.s32 @!p1 $0x0  }
0x19: {  	[tilespmem:s0], [sflag:$0x3] =	stream.linear.gather @!p1 [hbm4b:s5+s0], $0x1C00, $0x38;
	[tilespmem:$0x1E400] =	vst v63  }
0x1a: {  	s26 =	simm.s32 $0x0;
	s28 =	simm.s32 $0x200;
	s0 =	simm.s32 @!p2 $0x0  }
0x1b: {  	[tilespmem:s0], [sflag:$0x3] =	stream.linear.gather @!p2 [hbm4b:s6+s0], $0x2800, $0x38;
	[tilespmem:$0x1E400] =	vst v63  }
.LBB2_2:
0x1c: {  	p3 =	sne.s32 s28, $0xFE00;
	[tilespmem:s26+$0x2870] =	vst v0  }
0x1d: {  	[tilespmem:s26+$0x2800] =	vst v0  }
0x1e: {  	[tilespmem:s26+$0x2810] =	vst v0  }
.Ltmp0:
0x1f: {  	[tilespmem:s26+$0x2820] =	vst v0;
	(pc) =	sbr.rel @p3 .LBB2_2-.Ltmp0, $4  }
0x20: {  	[tilespmem:s26+$0x2830] =	vst v0  }
0x21: {  	[tilespmem:s26+$0x2840] =	vst v0  }
0x22: {  	[tilespmem:s26+$0x2850] =	vst v0  }
0x23: {  	[tilespmem:s26+$0x2860] =	vst v0;
	s26 =	sshra.s32 s28, $0x2;
	s28 =	sadd.s32 $0x200, s28  }
0x24: {  	[tilespmem:s26+$0x2870] =	vst v0  }
0x25: {  	[tilespmem:s26+$0x2800] =	vst v0  }
0x26: {  	[tilespmem:s26+$0x2810] =	vst v0  }
0x27: {  	[tilespmem:s26+$0x2820] =	vst v0  }
0x28: {  	[tilespmem:s26+$0x2830] =	vst v0  }
0x29: {  	[tilespmem:s26+$0x2840] =	vst v0  }
0x2a: {  	[tilespmem:s26+$0x2850] =	vst v0  }
0x2b: {  	[tilespmem:s26+$0x2860] =	vst v0  }
0x2c: {  	[spmem:s7] =	stream.linear.scatter [tilespmem:s17], [sflag:$0x4], $0x4000, $0x38;
	[tilespmem:$0x1E400] =	vst v63  }
0x2d: {  	_ = 	snop  }
0x2e: {  	[spmem:s8] =	stream.linear.scatter [tilespmem:s17], [sflag:$0x4], $0x4000, $0x38;
	[tilespmem:$0x1E400] =	vst v63  }
0x2f: {  	_ = 	snop  }
0x30: {  	[spmem:s9] =	stream.linear.scatter [tilespmem:s17], [sflag:$0x4], $0x4000, $0x38;
	[tilespmem:$0x1E400] =	vst v63  }
0x31: {  	_ = 	snop  }
0x32: {  	[spmem:s10] =	stream.linear.scatter [tilespmem:s17], [sflag:$0x4], $0x4000, $0x38;
	[tilespmem:$0x1E400] =	vst v63  }
0x33: {  	_ = 	snop  }
0x34: {  	[spmem:s11] =	stream.linear.scatter [tilespmem:s17], [sflag:$0x4], $0x3C00, $0x38;
	[tilespmem:$0x1E400] =	vst v63  }
0x35: {  	_ = 	snop  }
0x36: {  	[tilespmem:s18], [sflag:$0x2] =	stream.linear.gather [hbm4b:s13+s4], $0x4000, $0x38;
	[tilespmem:$0x1E400] =	vst v63  }
0x37: {  	_ =	swait.ge [sflag:s19], $0x4000  }
0x38: {  	[sflag:s19] =	ssyncset.done $0x0  }
0x39: {  	[sflag:s19] =	ssyncadd.s32 $0xFFFFC000  }
0x3a: {  	_ =	swait.ge [sflag:s19], $0x4000  }
0x3b: {  	[sflag:s19] =	ssyncset.done $0x0  }
0x3c: {  	[sflag:s19] =	ssyncadd.s32 $0xFFFFC000  }
0x3d: {  	_ =	swait.ge [sflag:s19], $0x4000  }
0x3e: {  	[sflag:s19] =	ssyncset.done $0x0  }
0x3f: {  	[sflag:s19] =	ssyncadd.s32 $0xFFFFC000  }
0x40: {  	_ =	swait.ge [sflag:s19], $0x4000  }
0x41: {  	[sflag:s19] =	ssyncset.done $0x0  }
0x42: {  	[sflag:s19] =	ssyncadd.s32 $0xFFFFC000  }
0x43: {  	_ =	swait.ge [sflag:s19], $0x3C00  }
0x44: {  	[sflag:s19] =	ssyncset.done $0x0  }
0x45: {  	s0 =	simm.s32 @p0 $0x3;
	[sflag:s19] =	ssyncadd.s32 $0xFFFFC400  }
0x46: {  	[tilespmem:s17], [sflag:$0x1] =	stream.linear.gather [hbm4b:s12+s4], $0x4000, $0x38;
	[tilespmem:$0x1E400] =	vst v63  }
0x47: {  	_ =	swait.ge @p0 [sflag:s0], $0x1800  }
0x48: {  	[sflag:s0] =	ssyncset.done @p0 $0x0  }
0x49: {  	[sflag:s0] =	ssyncadd.s32 @p0 $0xFFFFE800;
	s0 =	simm.s32 @!p1 $0x3  }
0x4a: {  	_ =	swait.ge @!p1 [sflag:s0], $0x1C00  }
0x4b: {  	[sflag:s0] =	ssyncset.done @!p1 $0x0  }
0x4c: {  	[sflag:s0] =	ssyncadd.s32 @!p1 $0xFFFFE400;
	s0 =	simm.s32 @!p2 $0x3  }
0x4d: {  	_ =	swait.ge @!p2 [sflag:s0], $0x2800  }
0x4e: {  	[sflag:s0] =	ssyncset.done @!p2 $0x0  }
0x4f: {  	[sflag:s0] =	ssyncadd.s32 @!p2 $0xFFFFD800  }
0x50: {  	[bflag:$0x0] =	sbarrier.arrive $0xFFFF  }
0x51: {  	_ =	swait.ge [sflag:s20], $0x4000  }
0x52: {  	[sflag:s20] =	ssyncset.done $0x0  }
0x53: {  	s26 =	simm.s32 $0x0;
	[sflag:s20] =	ssyncadd.s32 $0xFFFFC000  }
0x54: {  	[spmem:s3] =	stream.indirect.scatter.add.f32 [tilespmem:s17], [sflag:$0x3], $0x80, s26, s21, $0xb8;
	[tilespmem:$0x1E400] =	vst v63  }
0x55: {  	s26 =	simm.s32 @!p1 $0x1A  }
0x56: {  	s0 =	sadd.s32 $0xFFFFC000, s16;
	_ =	swait.ge [sflag:s22], $0x4000;
	s26 =	simm.s32 @p1 $0x28  }
0x57: {  	s0 =	sshrl.u32 s0, $0x3;
	[sflag:s22] =	ssyncset.done $0x0;
	s26 =	simm.s32 @p0 $0x28  }
0x58: {  	s0 =	sadd.s32 s1, s0;
	[sflag:s22] =	ssyncadd.s32 $0xFFFFC000;
	s26 =	simm.s32 @p0 $0x18  }
0x59: {  	[tilespmem:s17], [sflag:$0x1] =	stream.linear.gather [hbm4b:s0+s4], $0x4000, $0x38;
	[tilespmem:$0x1E400] =	vst v63  }
0x5a: {  	s29 =	sadd.s32 $0xFFFFFFFF, s26;
	_ =	swait.ge [sflag:s23], $0x4000  }
0x5b: {  	p3 =	sne.s32 s29, $0x1;
	[sflag:s23] =	ssyncset.done $0x0  }
.Ltmp1:
0x5c: {  	s26 =	simm.s32 $0x80;
	[sflag:s23] =	ssyncadd.s32 $0xFFFFC000;
	(pc) =	sbr.rel @!p3 .LBB2_5-.Ltmp1, $4  }
0x5d: {  	[spmem:s3] =	stream.indirect.scatter.add.f32 [tilespmem:s18], [sflag:$0x4], $0x80, s26, s21, $0xb8;
	[tilespmem:$0x1E400] =	vst v63  }
0x5e: {  	s30 =	simm.s32 $0x1;
	_ =	swait.ge [sflag:s19], $0x4000  }
0x5f: {  	s28 =	simm.s32 $0x180;
	s0 =	sshrl.u32 s16, $0x3;
	[sflag:s19] =	ssyncset.done $0x0  }
0x60: {  	s31 =	sadd.s32 $0x8000, s16;
	s0 =	sadd.s32 s1, s0;
	[sflag:s19] =	ssyncadd.s32 $0xFFFFC000  }
.LBB2_4:
0x61: {  	s26 =	smov.u32 s28  }
0x62: {  	[tilespmem:s18], [sflag:$0x2] =	stream.linear.gather [hbm4b:s0+s4], $0x4000, $0x38;
	[tilespmem:$0x1E400] =	vst v63  }
0x63: {  	s30 =	sadd.s32 $0x1, s30;
	_ =	swait.ge [sflag:s20], $0x4000  }
0x64: {  	p3 =	sne.s32 s29, s30;
	[sflag:s20] =	ssyncset.done $0x0  }
0x65: {  	s0 =	sadd.s32 $0xFFFFFF80, s28;
	[sflag:s20] =	ssyncadd.s32 $0xFFFFC000  }
0x66: {  	[spmem:s3] =	stream.indirect.scatter.add.f32 [tilespmem:s17], [sflag:$0x3], $0x80, s0, s21, $0xb8;
	[tilespmem:$0x1E400] =	vst v63  }
0x67: {  	s0 =	sadd.s32 $0xFFFFC000, s31;
	_ =	swait.ge [sflag:s22], $0x4000  }
0x68: {  	s0 =	sshrl.u32 s0, $0x3;
	[sflag:s22] =	ssyncset.done $0x0  }
0x69: {  	s0 =	sadd.s32 s1, s0;
	[sflag:s22] =	ssyncadd.s32 $0xFFFFC000  }
0x6a: {  	[tilespmem:s17], [sflag:$0x1] =	stream.linear.gather [hbm4b:s0+s4], $0x4000, $0x38;
	[tilespmem:$0x1E400] =	vst v63  }
0x6b: {  	_ =	swait.ge [sflag:s23], $0x4000  }
0x6c: {  	[sflag:s23] =	ssyncset.done $0x0  }
.Ltmp2:
0x6d: {  	[sflag:s23] =	ssyncadd.s32 $0xFFFFC000;
	(pc) =	sbr.rel @p3 .LBB2_4-.Ltmp2, $4  }
0x6e: {  	[spmem:s3] =	stream.indirect.scatter.add.f32 [tilespmem:s18], [sflag:$0x4], $0x80, s28, s21, $0xb8;
	[tilespmem:$0x1E400] =	vst v63  }
0x6f: {  	_ =	swait.ge [sflag:s19], $0x4000  }
0x70: {  	s0 =	sshrl.u32 s31, $0x3;
	s28 =	sadd.s32 $0x100, s28;
	[sflag:s19] =	ssyncset.done $0x0  }
0x71: {  	s31 =	sadd.s32 $0x8000, s31;
	s0 =	sadd.s32 s1, s0;
	[sflag:s19] =	ssyncadd.s32 $0xFFFFC000  }
.LBB2_5:
0x72: {  	[tilespmem:s18], [sflag:$0x2] =	stream.linear.gather [hbm4b:s0+s4], $0x4000, $0x38;
	[tilespmem:$0x1E400] =	vst v63  }
0x73: {  	_ =	swait.ge [sflag:s20], $0x4000  }
0x74: {  	[sflag:s20] =	ssyncset.done $0x0  }
0x75: {  	s29 =	sadd.s32 $0x80, s26;
	[sflag:s20] =	ssyncadd.s32 $0xFFFFC000  }
0x76: {  	[spmem:s3] =	stream.indirect.scatter.add.f32 [tilespmem:s17], [sflag:$0x3], $0x80, s29, s21, $0xb8;
	[tilespmem:$0x1E400] =	vst v63  }
0x77: {  	_ =	swait.ge [sflag:s23], $0x4000  }
0x78: {  	[sflag:s23] =	ssyncset.done $0x0  }
0x79: {  	[sflag:s23] =	ssyncadd.s32 $0xFFFFC000  }
0x7a: {  	[spmem:s3] =	stream.indirect.scatter.add.f32 [tilespmem:s18], [sflag:$0x4], $0x80, s28, s21, $0xb8;
	[tilespmem:$0x1E400] =	vst v63  }
0x7b: {  	_ =	swait.ge [sflag:s22], $0x4000  }
0x7c: {  	[sflag:s22] =	ssyncset.done $0x0  }
0x7d: {  	[sflag:s22] =	ssyncadd.s32 $0xFFFFC000  }
0x7e: {  	_ =	swait.ge [sflag:s19], $0x4000  }
0x7f: {  	s30 =	sshll.u32 s2, $0x6;
	s25 =	sadd.s32 $0x1, s25;
	[sflag:s19] =	ssyncset.done $0x0  }
0x80: {  	s31 =	sshrl.u32 s7, $0x3;
	p3 =	sne.s32 s25, s15;
	[sflag:s19] =	ssyncadd.s32 $0xFFFFC000  }
.Ltmp3:
0x81: {  	s0 =	sor.u32 $0x1C05, s30;
	[bflag:$0x0] =	sbarrier.arrive $0xFFFF;
	(pc) =	sbr.rel @p3 .LBB2_1-.Ltmp3, $4  }
0x82: {  	[hbm:s14], [sflag:s0] =	dma.local [spmem:s31], $0x2780  }
0x83: {  	_ =	swait.ge [sflag:s24], $0x2780  }
0x84: {  	[sflag:s24] =	ssyncset.done $0x0  }
0x85: {  	[sflag:s24] =	ssyncadd.s32 $0xFFFFD880  }
0x86: {  	_ =	sfence.sel $0x180000  }
0x87: {  	[bflag:$0x0] =	sbarrier.arrive $0xFFFF  }
0x88: {  	_ =	strace $0x90000047  }
0x89: {  	[bflag:$0x2] =	sbarrier.arrive $0xFFFF  }
0x8a: {  	p0 =	sne.s32 s2, $0x0;
	s0 =	rddreg [dreg:$0x4]  }
0x8b: {  	s0 =	sadd.s32 @!p0 $0x100000, s0  }
0x8c: {  	[sflag:s0] =	ssyncadd.tile.s32 @!p0 $0x1;
	_ =	shalt  }
.Lfunc_end2:
_tile_overlayer_lowered:
.L_overlay_start_2:
0x8d: {  	(tag) =	ssettag $0x2  }
0x8e: {  	s0 =	rddreg [dreg:$0x0];
	s2 =	stileid.u32  }
0x8f: {  	s1 =	rddreg [dreg:$0x1];
	p0 =	sne.s32 s2, $0x0  }
0x90: {  	s3 =	rddreg [dreg:$0x2];
	[bflag:$0x3] =	sbarrier.arrive $0xFFFF;
	s2 =	simm.s32 @!p0 $0x1C05  }
0x91: {  	[timem:s3], [sflag:s2] =	dma.local @!p0 [hbm:s0], s1  }
0x92: {  	s0 =	simm.s32 @!p0 $0x5  }
0x93: {  	_ =	swait.ge @!p0 [sflag:s0], s1  }
0x94: {  	s1 =	ssub.s32 @!p0 $0x0, s1;
	[sflag:s0] =	ssyncset.done @!p0 $0x0  }
0x95: {  	[sflag:s0] =	ssyncadd.s32 @!p0 s1  }
0x96: {  	[bflag:$0x3] =	sbarrier.arrive $0xFFFF  }
0x97: {  	_ =	shalt  }

</sc_bundles>
